<compile_context>
chip_gen: v7x
topology: tpu7x:2x2x1
jax: 0.10.2.dev20260603
libtpu: 0.0.44.dev20260713+nightly
codegen_flags: <defaults>
</compile_context>

<pallas_src>
import functools

import jax
import jax.numpy as jnp
from jax import lax
from jax.experimental import pallas as pl
from jax.experimental.pallas import tpu as pltpu
from jax.experimental.pallas import tpu_sc as plsc

TOP_K = 10


def _topk_body(y_ref, ts_ref, idx_ref, sel_ref):
    B, K = y_ref.shape
    y = y_ref[...]
    ts = ts_ref[...]
    colf = lax.broadcasted_iota(jnp.int32, (B, K), 1).astype(jnp.float32)
    row_base = lax.broadcasted_iota(jnp.int32, (B, 1), 0) * K

    idx_cols = []
    tsel_cols = []
    ysel_cols = []
    cur = y
    for _ in range(TOP_K):
        m = jnp.max(cur, axis=1, keepdims=True)
        cand = jnp.where(cur == m, colf, float(K))
        idxf = jnp.min(cand, axis=1, keepdims=True)
        onehot = cand == idxf
        tk = jnp.sum(jnp.where(onehot, ts, 0.0), axis=1, keepdims=True)
        idx_cols.append(idxf.astype(jnp.int32) + row_base)
        tsel_cols.append(tk)
        ysel_cols.append(m)
        cur = jnp.where(onehot, -jnp.inf, cur)

    idx_t = jnp.concatenate(idx_cols, axis=1).T
    for k in range(TOP_K):
        idx_ref[pl.ds(k * B, B)] = idx_t[k]
    sel_ref[...] = jnp.concatenate(tsel_cols + ysel_cols, axis=1)


def _topk_stage(y, ts):
    B, K = y.shape
    return pl.pallas_call(
        _topk_body,
        out_shape=(
            jax.ShapeDtypeStruct((TOP_K * B,), jnp.int32),
            jax.ShapeDtypeStruct((B, 2 * TOP_K), jnp.float32),
        ),
    )(y, ts)


def _sc_gather(table, flat_idx):
    info = plsc.get_sparse_core_info()
    nc = 1
    nw = nc * info.num_subcores
    (n,) = flat_idx.shape
    d = table.shape[1]
    per = n // nw
    mesh = plsc.VectorSubcoreMesh(core_axis_name="c", subcore_axis_name="s",
                                  num_cores=nc)

    nch = 5
    hp = per // nch

    @functools.partial(
        pl.kernel,
        mesh=mesh,
        out_type=jax.ShapeDtypeStruct((n, d), jnp.float32),
        scratch_types=[
            pltpu.VMEM((per,), jnp.int32),
        ] + [pltpu.VMEM((hp, d), jnp.float32) for _ in range(nch)]
          + [pltpu.SemaphoreType.DMA, pltpu.SemaphoreType.DMA],
    )
    def gather_k(table_hbm, idx_hbm, out_hbm, idx_v, *bufs_sems):
        rows = bufs_sems[:nch]
        gsem, wsem = bufs_sems[nch], bufs_sems[nch + 1]
        wid = lax.axis_index("s") * nc + lax.axis_index("c")
        base = wid * per
        pltpu.sync_copy(idx_hbm.at[pl.ds(base, per)], idx_v)
        gs = [pltpu.async_copy(table_hbm.at[idx_v.at[pl.ds(c * hp, hp)]],
                               rows[c], gsem) for c in range(nch)]
        ws = []
        for c in range(nch):
            gs[c].wait()
            ws.append(pltpu.async_copy(
                rows[c], out_hbm.at[pl.ds(base + c * hp, hp)], wsem))
        for w in ws:
            w.wait()

    return gather_k(table, flat_idx)


def _mlp_body(g_ref, sel_ref, w1_ref, b1_ref, w2_ref, b2_ref, out_ref):
    B = sel_ref.shape[0]
    D = g_ref.shape[1]
    H = w2_ref.shape[1]
    g = g_ref[...]
    tsel = sel_ref[:, :TOP_K]
    ysel = sel_ref[:, TOP_K:]
    dot = functools.partial(
        lax.dot_general,
        dimension_numbers=(((1,), (0,)), ((), ())),
        preferred_element_type=jnp.float32,
        precision=lax.Precision.DEFAULT,
    )
    a = dot(g, w1_ref[:D, :]) + b1_ref[...]
    bb = dot(g, w1_ref[D:2 * D, :])
    w1c = w1_ref[2 * D:2 * D + 1, :]
    b2 = b2_ref[0, 0]

    ones_row = jnp.ones((1, H), jnp.float32)
    t_acc = jnp.zeros((B, H), jnp.float32)
    for i in range(TOP_K):
        a_i = a[i * B:(i + 1) * B, :]
        t_i = tsel[:, i:i + 1]
        y_i = ysel[:, i:i + 1]
        for j in range(i + 1, TOP_K):
            dt = jnp.abs(t_i - tsel[:, j:j + 1])
            h = a_i + bb[j * B:(j + 1) * B, :] + dot(dt, w1c)
            s = h * jax.nn.sigmoid(h)
            t_acc = t_acc + s * dot(y_i * ysel[:, j:j + 1], ones_row)
    ys = jnp.sum(ysel, axis=1, keepdims=True)
    w_sum = 0.5 * (ys * ys - jnp.sum(ysel * ysel, axis=1, keepdims=True))
    e = jnp.sum(t_acc * w2_ref[...], axis=1, keepdims=True) + b2 * w_sum
    out_ref[...] = e[:, 0]


def _mlp_stage(g, sel, w1, b1, w2, b2):
    B = sel.shape[0]
    return pl.pallas_call(
        _mlp_body,
        out_shape=jax.ShapeDtypeStruct((B,), jnp.float32),
    )(g, sel, w1, b1, w2, b2)


def kernel(M, y, timestamps, W1, b1, W2, b2):
    B, K, D = M.shape
    H = W1.shape[1]

    idx, sel = _topk_stage(y, timestamps)

    g = _sc_gather(M.reshape(B * K, D), idx)

    return _mlp_stage(g, sel, W1, b1.reshape(1, H),
                      W2.reshape(1, H), b2.reshape(1, 1))

# --- scband reference (transcript-rebuilt; emitter-appended) ---
"""Pipeline reference for scband-temporal-energy-90091234001026 (READ-ONLY COPY).

The authoritative reference and input builder live on the scoring server;
editing this copy changes nothing except your own understanding.
"""

import jax, jax.numpy as jnp
import numpy as np

EMB_DIM = 384
HIDDEN = 256


def setup_inputs(seed: int = 0) -> dict:
    key = jax.random.key(seed)
    k1, k2, k3, k4, k5, k6, k7 = jax.random.split(key, 7)
    B, K, D = 64, 2048, EMB_DIM
    M = jax.random.normal(k1, (B, K, D), dtype=jnp.float32)
    y = jax.random.normal(k2, (B, K), dtype=jnp.float32)
    timestamps = jax.random.uniform(k3, (B, K), dtype=jnp.float32)
    in_dim = 2 * D + 1
    lim1 = 1.0 / np.sqrt(in_dim)
    lim2 = 1.0 / np.sqrt(HIDDEN)
    W1 = jax.random.uniform(k4, (in_dim, HIDDEN), dtype=jnp.float32, minval=-lim1, maxval=lim1)
    b1 = jax.random.uniform(k5, (HIDDEN,), dtype=jnp.float32, minval=-lim1, maxval=lim1)
    W2 = jax.random.uniform(k6, (HIDDEN, 1), dtype=jnp.float32, minval=-lim2, maxval=lim2)
    b2 = jax.random.uniform(k7, (1,), dtype=jnp.float32, minval=-lim2, maxval=lim2)
    return {"M": M, "y": y, "timestamps": timestamps, "W1": W1, "b1": b1, "W2": W2, "b2": b2}


def reference(M, y, timestamps, W1, b1, W2, b2):
    B, K, D = M.shape
    top_k = min(10, K)
    _, top_idx = jax.lax.top_k(y, top_k)  # [B, top_k]
    ar = jnp.arange(B)
    E = jnp.zeros((B,), dtype=M.dtype)
    for i in range(top_k):
        for j in range(i + 1, top_k):
            idx_i = top_idx[:, i]
            idx_j = top_idx[:, j]
            m_i = M[ar, idx_i]  # [B, D]
            m_j = M[ar, idx_j]  # [B, D]
            dt = (timestamps[ar, idx_i] - timestamps[ar, idx_j])[:, None]
            pair = jnp.concatenate([m_i, m_j, jnp.abs(dt)], axis=-1)  # [B, 2D+1]
            h = pair @ W1 + b1
            h = h * jax.nn.sigmoid(h)  # SiLU
            conflict = (h @ W2 + b2)[:, 0]
            weight = y[ar, idx_i] * y[ar, idx_j]
            E = E + conflict * weight
    return E

if __name__ == "__main__":
    import jax
    _d = setup_inputs()
    print(jax.jit(kernel)(*tuple(_d.values())))

</pallas_src>

<mosaic_0001>
#map = affine_map<(d0, d1) -> (0, 0)>
#map1 = affine_map<(d0, d1) -> (0)>
module attributes {stable_mosaic.version = 14 : i64} {
  func.func @gather_k(%arg0: i32, %arg1: i32, %arg2: memref<131072x384xf32, #tpu.memory_space<hbm>>, %arg3: memref<640xi32, #tpu.memory_space<hbm>>, %arg4: memref<640x384xf32, #tpu.memory_space<hbm>>, %arg5: memref<40xi32, #tpu.memory_space<vmem>>, %arg6: memref<8x384xf32, #tpu.memory_space<vmem>>, %arg7: memref<8x384xf32, #tpu.memory_space<vmem>>, %arg8: memref<8x384xf32, #tpu.memory_space<vmem>>, %arg9: memref<8x384xf32, #tpu.memory_space<vmem>>, %arg10: memref<8x384xf32, #tpu.memory_space<vmem>>, %arg11: memref<!tpu.dma_semaphore, #tpu.memory_space<semaphore_mem>>, %arg12: memref<!tpu.dma_semaphore, #tpu.memory_space<semaphore_mem>>) attributes {dimension_semantics = [#tpu.dimension_semantics<core_parallel>, #tpu.dimension_semantics<subcore_parallel>], iteration_bounds = array<i64: 1, 16>, scalar_prefetch = 0 : i64, scratch_operands = 8 : i64, tpu.core_type = #tpu.core_type<sc_vector_subcore>, window_params = [{transform_indices = #map}, {transform_indices = #map1}, {transform_indices = #map}]} {
    %mul3A = arith.constant 1 : i32
    %mul3A_0 = arith.muli %arg1, %mul3A : i32
    %add3A = arith.addi %mul3A_0, %arg0 : i32
    %mul3A_1 = arith.constant 40 : i32
    %mul3A_2 = arith.muli %add3A, %mul3A_1 : i32
    "tpu.region"() ({
      %run_scoped3A = tpu.sem_alloc : memref<!tpu.dma_semaphore, #tpu.memory_space<semaphore_mem>>
      %dma_start3A_101 = tpu.memref_slice %arg3[%mul3A_2] : memref<640xi32, #tpu.memory_space<hbm>> -> memref<40xi32, #tpu.memory_space<hbm>>
      %dma_start3A_102 = tpu.memref_slice %arg3[%mul3A_2] : memref<640xi32, #tpu.memory_space<hbm>> -> memref<40xi32, #tpu.memory_space<hbm>>
      tpu.enqueue_dma source(%dma_start3A_102 : memref<40xi32, #tpu.memory_space<hbm>>) target(%arg5 : memref<40xi32, #tpu.memory_space<vmem>>) target_semaphore(%run_scoped3A : memref<!tpu.dma_semaphore, #tpu.memory_space<semaphore_mem>>)
      %dma_wait3A_103 = tpu.memref_slice %arg3[%mul3A_2] : memref<640xi32, #tpu.memory_space<hbm>> -> memref<40xi32, #tpu.memory_space<hbm>>
      %dma_wait3A_104 = tpu.memref_slice %arg3[%mul3A_2] : memref<640xi32, #tpu.memory_space<hbm>> -> memref<40xi32, #tpu.memory_space<hbm>>
      tpu.wait_dma2 semaphore(%run_scoped3A : memref<!tpu.dma_semaphore, #tpu.memory_space<semaphore_mem>>) src(%dma_wait3A_104 : memref<40xi32, #tpu.memory_space<hbm>>) dst(%arg5 : memref<40xi32, #tpu.memory_space<vmem>>)
      tpu.yield
    }) : () -> ()
    %dma_start3A = arith.constant 0 : i32
    %dma_start3A_3 = tpu.memref_slice %arg5[%dma_start3A] : memref<40xi32, #tpu.memory_space<vmem>> -> memref<8xi32, #tpu.memory_space<vmem>>
    %dma_start3A_4 = arith.constant 0 : i32
    %dma_start3A_5 = arith.constant 0 : i32
    %dma_start3A_6 = tpu.memref_slice %arg2[%dma_start3A_4, %dma_start3A_5] : memref<131072x384xf32, #tpu.memory_space<hbm>> -> memref<131072x384xf32, #tpu.memory_space<hbm>>
    tpu.enqueue_indirect_dma source(%dma_start3A_6 : memref<131072x384xf32, #tpu.memory_space<hbm>>) target(%arg6 : memref<8x384xf32, #tpu.memory_space<vmem>>) offsets(%dma_start3A_3 : memref<8xi32, #tpu.memory_space<vmem>>) semaphore(%arg11 : memref<!tpu.dma_semaphore, #tpu.memory_space<semaphore_mem>>)
    %dma_start3A_7 = arith.constant 8 : i32
    %dma_start3A_8 = tpu.memref_slice %arg5[%dma_start3A_7] : memref<40xi32, #tpu.memory_space<vmem>> -> memref<8xi32, #tpu.memory_space<vmem>>
    %dma_start3A_9 = arith.constant 0 : i32
    %dma_start3A_10 = arith.constant 0 : i32
    %dma_start3A_11 = tpu.memref_slice %arg2[%dma_start3A_9, %dma_start3A_10] : memref<131072x384xf32, #tpu.memory_space<hbm>> -> memref<131072x384xf32, #tpu.memory_space<hbm>>
    tpu.enqueue_indirect_dma source(%dma_start3A_11 : memref<131072x384xf32, #tpu.memory_space<hbm>>) target(%arg7 : memref<8x384xf32, #tpu.memory_space<vmem>>) offsets(%dma_start3A_8 : memref<8xi32, #tpu.memory_space<vmem>>) semaphore(%arg11 : memref<!tpu.dma_semaphore, #tpu.memory_space<semaphore_mem>>)
    %dma_start3A_12 = arith.constant 16 : i32
    %dma_start3A_13 = tpu.memref_slice %arg5[%dma_start3A_12] : memref<40xi32, #tpu.memory_space<vmem>> -> memref<8xi32, #tpu.memory_space<vmem>>
    %dma_start3A_14 = arith.constant 0 : i32
    %dma_start3A_15 = arith.constant 0 : i32
    %dma_start3A_16 = tpu.memref_slice %arg2[%dma_start3A_14, %dma_start3A_15] : memref<131072x384xf32, #tpu.memory_space<hbm>> -> memref<131072x384xf32, #tpu.memory_space<hbm>>
    tpu.enqueue_indirect_dma source(%dma_start3A_16 : memref<131072x384xf32, #tpu.memory_space<hbm>>) target(%arg8 : memref<8x384xf32, #tpu.memory_space<vmem>>) offsets(%dma_start3A_13 : memref<8xi32, #tpu.memory_space<vmem>>) semaphore(%arg11 : memref<!tpu.dma_semaphore, #tpu.memory_space<semaphore_mem>>)
    %dma_start3A_17 = arith.constant 24 : i32
    %dma_start3A_18 = tpu.memref_slice %arg5[%dma_start3A_17] : memref<40xi32, #tpu.memory_space<vmem>> -> memref<8xi32, #tpu.memory_space<vmem>>
    %dma_start3A_19 = arith.constant 0 : i32
    %dma_start3A_20 = arith.constant 0 : i32
    %dma_start3A_21 = tpu.memref_slice %arg2[%dma_start3A_19, %dma_start3A_20] : memref<131072x384xf32, #tpu.memory_space<hbm>> -> memref<131072x384xf32, #tpu.memory_space<hbm>>
    tpu.enqueue_indirect_dma source(%dma_start3A_21 : memref<131072x384xf32, #tpu.memory_space<hbm>>) target(%arg9 : memref<8x384xf32, #tpu.memory_space<vmem>>) offsets(%dma_start3A_18 : memref<8xi32, #tpu.memory_space<vmem>>) semaphore(%arg11 : memref<!tpu.dma_semaphore, #tpu.memory_space<semaphore_mem>>)
    %dma_start3A_22 = arith.constant 32 : i32
    %dma_start3A_23 = tpu.memref_slice %arg5[%dma_start3A_22] : memref<40xi32, #tpu.memory_space<vmem>> -> memref<8xi32, #tpu.memory_space<vmem>>
    %dma_start3A_24 = arith.constant 0 : i32
    %dma_start3A_25 = arith.constant 0 : i32
    %dma_start3A_26 = tpu.memref_slice %arg2[%dma_start3A_24, %dma_start3A_25] : memref<131072x384xf32, #tpu.memory_space<hbm>> -> memref<131072x384xf32, #tpu.memory_space<hbm>>
    tpu.enqueue_indirect_dma source(%dma_start3A_26 : memref<131072x384xf32, #tpu.memory_space<hbm>>) target(%arg10 : memref<8x384xf32, #tpu.memory_space<vmem>>) offsets(%dma_start3A_23 : memref<8xi32, #tpu.memory_space<vmem>>) semaphore(%arg11 : memref<!tpu.dma_semaphore, #tpu.memory_space<semaphore_mem>>)
    %dma_wait3A = arith.constant 0 : i32
    %dma_wait3A_27 = tpu.memref_slice %arg5[%dma_wait3A] : memref<40xi32, #tpu.memory_space<vmem>> -> memref<8xi32, #tpu.memory_space<vmem>>
    %dma_wait3A_28 = arith.constant 0 : i32
    %dma_wait3A_29 = arith.constant 0 : i32
    %dma_wait3A_30 = tpu.memref_slice %arg2[%dma_wait3A_28, %dma_wait3A_29] : memref<131072x384xf32, #tpu.memory_space<hbm>> -> memref<131072x384xf32, #tpu.memory_space<hbm>>
    tpu.wait_indirect_dma semaphore(%arg11 : memref<!tpu.dma_semaphore, #tpu.memory_space<semaphore_mem>>) src(%dma_wait3A_30 : memref<131072x384xf32, #tpu.memory_space<hbm>>) dst(%arg6 : memref<8x384xf32, #tpu.memory_space<vmem>>)
    %add3A_31 = arith.constant 0 : i32
    %add3A_32 = arith.addi %mul3A_2, %add3A_31 : i32
    %dma_start3A_33 = arith.constant 0 : i32
    %dma_start3A_34 = tpu.memref_slice %arg4[%add3A_32, %dma_start3A_33] : memref<640x384xf32, #tpu.memory_space<hbm>> -> memref<8x384xf32, #tpu.memory_space<hbm>>
    %dma_start3A_35 = arith.constant 0 : i32
    %dma_start3A_36 = tpu.memref_slice %arg4[%add3A_32, %dma_start3A_35] : memref<640x384xf32, #tpu.memory_space<hbm>> -> memref<8x384xf32, #tpu.memory_space<hbm>>
    tpu.enqueue_dma source(%arg6 : memref<8x384xf32, #tpu.memory_space<vmem>>) target(%dma_start3A_36 : memref<8x384xf32, #tpu.memory_space<hbm>>) target_semaphore(%arg12 : memref<!tpu.dma_semaphore, #tpu.memory_space<semaphore_mem>>)
    %dma_wait3A_37 = arith.constant 8 : i32
    %dma_wait3A_38 = tpu.memref_slice %arg5[%dma_wait3A_37] : memref<40xi32, #tpu.memory_space<vmem>> -> memref<8xi32, #tpu.memory_space<vmem>>
    %dma_wait3A_39 = arith.constant 0 : i32
    %dma_wait3A_40 = arith.constant 0 : i32
    %dma_wait3A_41 = tpu.memref_slice %arg2[%dma_wait3A_39, %dma_wait3A_40] : memref<131072x384xf32, #tpu.memory_space<hbm>> -> memref<131072x384xf32, #tpu.memory_space<hbm>>
    tpu.wait_indirect_dma semaphore(%arg11 : memref<!tpu.dma_semaphore, #tpu.memory_space<semaphore_mem>>) src(%dma_wait3A_41 : memref<131072x384xf32, #tpu.memory_space<hbm>>) dst(%arg7 : memref<8x384xf32, #tpu.memory_space<vmem>>)
    %add3A_42 = arith.constant 8 : i32
    %add3A_43 = arith.addi %mul3A_2, %add3A_42 : i32
    %dma_start3A_44 = arith.constant 0 : i32
    %dma_start3A_45 = tpu.memref_slice %arg4[%add3A_43, %dma_start3A_44] : memref<640x384xf32, #tpu.memory_space<hbm>> -> memref<8x384xf32, #tpu.memory_space<hbm>>
    %dma_start3A_46 = arith.constant 0 : i32
    %dma_start3A_47 = tpu.memref_slice %arg4[%add3A_43, %dma_start3A_46] : memref<640x384xf32, #tpu.memory_space<hbm>> -> memref<8x384xf32, #tpu.memory_space<hbm>>
    tpu.enqueue_dma source(%arg7 : memref<8x384xf32, #tpu.memory_space<vmem>>) target(%dma_start3A_47 : memref<8x384xf32, #tpu.memory_space<hbm>>) target_semaphore(%arg12 : memref<!tpu.dma_semaphore, #tpu.memory_space<semaphore_mem>>)
    %dma_wait3A_48 = arith.constant 16 : i32
    %dma_wait3A_49 = tpu.memref_slice %arg5[%dma_wait3A_48] : memref<40xi32, #tpu.memory_space<vmem>> -> memref<8xi32, #tpu.memory_space<vmem>>
    %dma_wait3A_50 = arith.constant 0 : i32
    %dma_wait3A_51 = arith.constant 0 : i32
    %dma_wait3A_52 = tpu.memref_slice %arg2[%dma_wait3A_50, %dma_wait3A_51] : memref<131072x384xf32, #tpu.memory_space<hbm>> -> memref<131072x384xf32, #tpu.memory_space<hbm>>
    tpu.wait_indirect_dma semaphore(%arg11 : memref<!tpu.dma_semaphore, #tpu.memory_space<semaphore_mem>>) src(%dma_wait3A_52 : memref<131072x384xf32, #tpu.memory_space<hbm>>) dst(%arg8 : memref<8x384xf32, #tpu.memory_space<vmem>>)
    %add3A_53 = arith.constant 16 : i32
    %add3A_54 = arith.addi %mul3A_2, %add3A_53 : i32
    %dma_start3A_55 = arith.constant 0 : i32
    %dma_start3A_56 = tpu.memref_slice %arg4[%add3A_54, %dma_start3A_55] : memref<640x384xf32, #tpu.memory_space<hbm>> -> memref<8x384xf32, #tpu.memory_space<hbm>>
    %dma_start3A_57 = arith.constant 0 : i32
    %dma_start3A_58 = tpu.memref_slice %arg4[%add3A_54, %dma_start3A_57] : memref<640x384xf32, #tpu.memory_space<hbm>> -> memref<8x384xf32, #tpu.memory_space<hbm>>
    tpu.enqueue_dma source(%arg8 : memref<8x384xf32, #tpu.memory_space<vmem>>) target(%dma_start3A_58 : memref<8x384xf32, #tpu.memory_space<hbm>>) target_semaphore(%arg12 : memref<!tpu.dma_semaphore, #tpu.memory_space<semaphore_mem>>)
    %dma_wait3A_59 = arith.constant 24 : i32
    %dma_wait3A_60 = tpu.memref_slice %arg5[%dma_wait3A_59] : memref<40xi32, #tpu.memory_space<vmem>> -> memref<8xi32, #tpu.memory_space<vmem>>
    %dma_wait3A_61 = arith.constant 0 : i32
    %dma_wait3A_62 = arith.constant 0 : i32
    %dma_wait3A_63 = tpu.memref_slice %arg2[%dma_wait3A_61, %dma_wait3A_62] : memref<131072x384xf32, #tpu.memory_space<hbm>> -> memref<131072x384xf32, #tpu.memory_space<hbm>>
    tpu.wait_indirect_dma semaphore(%arg11 : memref<!tpu.dma_semaphore, #tpu.memory_space<semaphore_mem>>) src(%dma_wait3A_63 : memref<131072x384xf32, #tpu.memory_space<hbm>>) dst(%arg9 : memref<8x384xf32, #tpu.memory_space<vmem>>)
    %add3A_64 = arith.constant 24 : i32
    %add3A_65 = arith.addi %mul3A_2, %add3A_64 : i32
    %dma_start3A_66 = arith.constant 0 : i32
    %dma_start3A_67 = tpu.memref_slice %arg4[%add3A_65, %dma_start3A_66] : memref<640x384xf32, #tpu.memory_space<hbm>> -> memref<8x384xf32, #tpu.memory_space<hbm>>
    %dma_start3A_68 = arith.constant 0 : i32
    %dma_start3A_69 = tpu.memref_slice %arg4[%add3A_65, %dma_start3A_68] : memref<640x384xf32, #tpu.memory_space<hbm>> -> memref<8x384xf32, #tpu.memory_space<hbm>>
    tpu.enqueue_dma source(%arg9 : memref<8x384xf32, #tpu.memory_space<vmem>>) target(%dma_start3A_69 : memref<8x384xf32, #tpu.memory_space<hbm>>) target_semaphore(%arg12 : memref<!tpu.dma_semaphore, #tpu.memory_space<semaphore_mem>>)
    %dma_wait3A_70 = arith.constant 32 : i32
    %dma_wait3A_71 = tpu.memref_slice %arg5[%dma_wait3A_70] : memref<40xi32, #tpu.memory_space<vmem>> -> memref<8xi32, #tpu.memory_space<vmem>>
    %dma_wait3A_72 = arith.constant 0 : i32
    %dma_wait3A_73 = arith.constant 0 : i32
    %dma_wait3A_74 = tpu.memref_slice %arg2[%dma_wait3A_72, %dma_wait3A_73] : memref<131072x384xf32, #tpu.memory_space<hbm>> -> memref<131072x384xf32, #tpu.memory_space<hbm>>
    tpu.wait_indirect_dma semaphore(%arg11 : memref<!tpu.dma_semaphore, #tpu.memory_space<semaphore_mem>>) src(%dma_wait3A_74 : memref<131072x384xf32, #tpu.memory_space<hbm>>) dst(%arg10 : memref<8x384xf32, #tpu.memory_space<vmem>>)
    %add3A_75 = arith.constant 32 : i32
    %add3A_76 = arith.addi %mul3A_2, %add3A_75 : i32
    %dma_start3A_77 = arith.constant 0 : i32
    %dma_start3A_78 = tpu.memref_slice %arg4[%add3A_76, %dma_start3A_77] : memref<640x384xf32, #tpu.memory_space<hbm>> -> memref<8x384xf32, #tpu.memory_space<hbm>>
    %dma_start3A_79 = arith.constant 0 : i32
    %dma_start3A_80 = tpu.memref_slice %arg4[%add3A_76, %dma_start3A_79] : memref<640x384xf32, #tpu.memory_space<hbm>> -> memref<8x384xf32, #tpu.memory_space<hbm>>
    tpu.enqueue_dma source(%arg10 : memref<8x384xf32, #tpu.memory_space<vmem>>) target(%dma_start3A_80 : memref<8x384xf32, #tpu.memory_space<hbm>>) target_semaphore(%arg12 : memref<!tpu.dma_semaphore, #tpu.memory_space<semaphore_mem>>)
    %dma_wait3A_81 = arith.constant 0 : i32
    %dma_wait3A_82 = tpu.memref_slice %arg4[%add3A_32, %dma_wait3A_81] : memref<640x384xf32, #tpu.memory_space<hbm>> -> memref<8x384xf32, #tpu.memory_space<hbm>>
    %dma_wait3A_83 = arith.constant 0 : i32
    %dma_wait3A_84 = tpu.memref_slice %arg4[%add3A_32, %dma_wait3A_83] : memref<640x384xf32, #tpu.memory_space<hbm>> -> memref<8x384xf32, #tpu.memory_space<hbm>>
    tpu.wait_dma2 semaphore(%arg12 : memref<!tpu.dma_semaphore, #tpu.memory_space<semaphore_mem>>) src(%arg6 : memref<8x384xf32, #tpu.memory_space<vmem>>) dst(%dma_wait3A_84 : memref<8x384xf32, #tpu.memory_space<hbm>>)
    %dma_wait3A_85 = arith.constant 0 : i32
    %dma_wait3A_86 = tpu.memref_slice %arg4[%add3A_43, %dma_wait3A_85] : memref<640x384xf32, #tpu.memory_space<hbm>> -> memref<8x384xf32, #tpu.memory_space<hbm>>
    %dma_wait3A_87 = arith.constant 0 : i32
    %dma_wait3A_88 = tpu.memref_slice %arg4[%add3A_43, %dma_wait3A_87] : memref<640x384xf32, #tpu.memory_space<hbm>> -> memref<8x384xf32, #tpu.memory_space<hbm>>
    tpu.wait_dma2 semaphore(%arg12 : memref<!tpu.dma_semaphore, #tpu.memory_space<semaphore_mem>>) src(%arg7 : memref<8x384xf32, #tpu.memory_space<vmem>>) dst(%dma_wait3A_88 : memref<8x384xf32, #tpu.memory_space<hbm>>)
    %dma_wait3A_89 = arith.constant 0 : i32
    %dma_wait3A_90 = tpu.memref_slice %arg4[%add3A_54, %dma_wait3A_89] : memref<640x384xf32, #tpu.memory_space<hbm>> -> memref<8x384xf32, #tpu.memory_space<hbm>>
    %dma_wait3A_91 = arith.constant 0 : i32
    %dma_wait3A_92 = tpu.memref_slice %arg4[%add3A_54, %dma_wait3A_91] : memref<640x384xf32, #tpu.memory_space<hbm>> -> memref<8x384xf32, #tpu.memory_space<hbm>>
    tpu.wait_dma2 semaphore(%arg12 : memref<!tpu.dma_semaphore, #tpu.memory_space<semaphore_mem>>) src(%arg8 : memref<8x384xf32, #tpu.memory_space<vmem>>) dst(%dma_wait3A_92 : memref<8x384xf32, #tpu.memory_space<hbm>>)
    %dma_wait3A_93 = arith.constant 0 : i32
    %dma_wait3A_94 = tpu.memref_slice %arg4[%add3A_65, %dma_wait3A_93] : memref<640x384xf32, #tpu.memory_space<hbm>> -> memref<8x384xf32, #tpu.memory_space<hbm>>
    %dma_wait3A_95 = arith.constant 0 : i32
    %dma_wait3A_96 = tpu.memref_slice %arg4[%add3A_65, %dma_wait3A_95] : memref<640x384xf32, #tpu.memory_space<hbm>> -> memref<8x384xf32, #tpu.memory_space<hbm>>
    tpu.wait_dma2 semaphore(%arg12 : memref<!tpu.dma_semaphore, #tpu.memory_space<semaphore_mem>>) src(%arg9 : memref<8x384xf32, #tpu.memory_space<vmem>>) dst(%dma_wait3A_96 : memref<8x384xf32, #tpu.memory_space<hbm>>)
    %dma_wait3A_97 = arith.constant 0 : i32
    %dma_wait3A_98 = tpu.memref_slice %arg4[%add3A_76, %dma_wait3A_97] : memref<640x384xf32, #tpu.memory_space<hbm>> -> memref<8x384xf32, #tpu.memory_space<hbm>>
    %dma_wait3A_99 = arith.constant 0 : i32
    %dma_wait3A_100 = tpu.memref_slice %arg4[%add3A_76, %dma_wait3A_99] : memref<640x384xf32, #tpu.memory_space<hbm>> -> memref<8x384xf32, #tpu.memory_space<hbm>>
    tpu.wait_dma2 semaphore(%arg12 : memref<!tpu.dma_semaphore, #tpu.memory_space<semaphore_mem>>) src(%arg10 : memref<8x384xf32, #tpu.memory_space<vmem>>) dst(%dma_wait3A_100 : memref<8x384xf32, #tpu.memory_space<hbm>>)
    return
  }
}

module attributes {stable_mosaic.version = 14 : i64} {
  func.func @_mlp_body(%arg0: memref<640x384xf32, #tpu.memory_space<vmem>>, %arg1: memref<64x20xf32, #tpu.memory_space<vmem>>, %arg2: memref<769x256xf32, #tpu.memory_space<vmem>>, %arg3: memref<1x256xf32, #tpu.memory_space<vmem>>, %arg4: memref<1x256xf32, #tpu.memory_space<vmem>>, %arg5: memref<1x1xf32, #tpu.memory_space<vmem>>, %arg6: memref<64xf32, #tpu.memory_space<vmem>>) attributes {dimension_semantics = [], scalar_prefetch = 0 : i64, scratch_operands = 0 : i64, tpu.core_type = #tpu.core_type<tc>} {
    %get3A = arith.constant 0 : index
    %get3A_0 = arith.constant 0 : index
    %get3A_1 = vector.load %arg0[%get3A, %get3A_0] : memref<640x384xf32, #tpu.memory_space<vmem>>, vector<640x384xf32>
    %get3A_2 = arith.constant 0 : index
    %get3A_3 = arith.constant 0 : index
    %get3A_4 = vector.load %arg1[%get3A_2, %get3A_3] : memref<64x20xf32, #tpu.memory_space<vmem>>, vector<64x10xf32>
    %get3A_5 = arith.constant 0 : index
    %get3A_6 = arith.constant 10 : index
    %get3A_7 = vector.load %arg1[%get3A_5, %get3A_6] : memref<64x20xf32, #tpu.memory_space<vmem>>, vector<64x10xf32>
    %get3A_8 = arith.constant 0 : index
    %get3A_9 = arith.constant 0 : index
    %get3A_10 = vector.load %arg2[%get3A_8, %get3A_9] : memref<769x256xf32, #tpu.memory_space<vmem>>, vector<384x256xf32>
    %dot_general3A = arith.constant dense<0.000000e+00> : vector<640x256xf32>
    %dot_general3A_11 = tpu.matmul %get3A_1, %get3A_10, %dot_general3A {dimension_numbers = #tpu.dot_dimension_numbers<[1], [0], [0], [1], [0, 0, 1, 1], [], []>, transpose_lhs_hint = false} : vector<640x384xf32>, vector<384x256xf32>, vector<640x256xf32> -> vector<640x256xf32>
    %get3A_12 = arith.constant 0 : index
    %get3A_13 = arith.constant 0 : index
    %get3A_14 = vector.load %arg3[%get3A_12, %get3A_13] : memref<1x256xf32, #tpu.memory_space<vmem>>, vector<1x256xf32>
    %add3A = vector.broadcast %get3A_14 : vector<1x256xf32> to vector<640x256xf32>
    %add3A_15 = arith.addf %dot_general3A_11, %add3A : vector<640x256xf32>
    %get3A_16 = arith.constant 384 : index
    %get3A_17 = arith.constant 0 : index
    %get3A_18 = vector.load %arg2[%get3A_16, %get3A_17] : memref<769x256xf32, #tpu.memory_space<vmem>>, vector<384x256xf32>
    %dot_general3A_19 = arith.constant dense<0.000000e+00> : vector<640x256xf32>
    %dot_general3A_20 = tpu.matmul %get3A_1, %get3A_18, %dot_general3A_19 {dimension_numbers = #tpu.dot_dimension_numbers<[1], [0], [0], [1], [0, 0, 1, 1], [], []>, transpose_lhs_hint = false} : vector<640x384xf32>, vector<384x256xf32>, vector<640x256xf32> -> vector<640x256xf32>
    %get3A_21 = arith.constant 768 : index
    %get3A_22 = arith.constant 0 : index
    %get3A_23 = vector.load %arg2[%get3A_21, %get3A_22] : memref<769x256xf32, #tpu.memory_space<vmem>>, vector<1x256xf32>
    %get3A_24 = arith.constant 0 : index
    %get3A_25 = arith.constant 0 : index
    %get3A_26 = vector.load %arg5[%get3A_24, %get3A_25] : memref<1x1xf32, #tpu.memory_space<vmem>>, vector<1x1xf32>
    %get3A_27 = vector.extract %get3A_26[0, 0] : f32 from vector<1x1xf32>
    %broadcast_in_dim3A = arith.constant 1.000000e+00 : f32
    %broadcast_in_dim3A_28 = vector.broadcast %broadcast_in_dim3A : f32 to vector<1x256xf32>
    %broadcast_in_dim3A_29 = arith.constant 0.000000e+00 : f32
    %broadcast_in_dim3A_30 = vector.broadcast %broadcast_in_dim3A_29 : f32 to vector<64x256xf32>
    %slice3A = vector.extract_strided_slice %add3A_15 {offsets = [0, 0], sizes = [64, 256], strides = [1, 1]} : vector<640x256xf32> to vector<64x256xf32>
    %slice3A_31 = vector.extract_strided_slice %get3A_4 {offsets = [0, 0], sizes = [64, 1], strides = [1, 1]} : vector<64x10xf32> to vector<64x1xf32>
    %slice3A_32 = vector.extract_strided_slice %get3A_7 {offsets = [0, 0], sizes = [64, 1], strides = [1, 1]} : vector<64x10xf32> to vector<64x1xf32>
    %slice3A_33 = vector.extract_strided_slice %get3A_4 {offsets = [0, 1], sizes = [64, 1], strides = [1, 1]} : vector<64x10xf32> to vector<64x1xf32>
    %sub3A = arith.subf %slice3A_31, %slice3A_33 : vector<64x1xf32>
    %abs3A = math.absf %sub3A : vector<64x1xf32>
    %slice3A_34 = vector.extract_strided_slice %dot_general3A_20 {offsets = [64, 0], sizes = [64, 256], strides = [1, 1]} : vector<640x256xf32> to vector<64x256xf32>
    %add3A_35 = arith.addf %slice3A, %slice3A_34 : vector<64x256xf32>
    %dot_general3A_36 = arith.constant dense<0.000000e+00> : vector<64x256xf32>
    %dot_general3A_37 = tpu.matmul %abs3A, %get3A_23, %dot_general3A_36 {dimension_numbers = #tpu.dot_dimension_numbers<[1], [0], [0], [1], [0, 0, 1, 1], [], []>, transpose_lhs_hint = false} : vector<64x1xf32>, vector<1x256xf32>, vector<64x256xf32> -> vector<64x256xf32>
    %add3A_38 = arith.addf %add3A_35, %dot_general3A_37 : vector<64x256xf32>
    %logistic3A = arith.negf %add3A_38 : vector<64x256xf32>
    %logistic3A_39 = math.exp %logistic3A : vector<64x256xf32>
    %logistic3A_40 = arith.constant 1.000000e+00 : f32
    %logistic3A_41 = vector.broadcast %logistic3A_40 : f32 to vector<64x256xf32>
    %logistic3A_42 = arith.addf %logistic3A_41, %logistic3A_39 : vector<64x256xf32>
    %logistic3A_43 = arith.divf %logistic3A_41, %logistic3A_42 : vector<64x256xf32>
    %mul3A = arith.mulf %add3A_38, %logistic3A_43 : vector<64x256xf32>
    %slice3A_44 = vector.extract_strided_slice %get3A_7 {offsets = [0, 1], sizes = [64, 1], strides = [1, 1]} : vector<64x10xf32> to vector<64x1xf32>
    %mul3A_45 = arith.mulf %slice3A_32, %slice3A_44 : vector<64x1xf32>
    %dot_general3A_46 = arith.constant dense<0.000000e+00> : vector<64x256xf32>
    %dot_general3A_47 = tpu.matmul %mul3A_45, %broadcast_in_dim3A_28, %dot_general3A_46 {dimension_numbers = #tpu.dot_dimension_numbers<[1], [0], [0], [1], [0, 0, 1, 1], [], []>, transpose_lhs_hint = false} : vector<64x1xf32>, vector<1x256xf32>, vector<64x256xf32> -> vector<64x256xf32>
    %mul3A_48 = arith.mulf %mul3A, %dot_general3A_47 : vector<64x256xf32>
    %add3A_49 = arith.addf %broadcast_in_dim3A_30, %mul3A_48 : vector<64x256xf32>
    %slice3A_50 = vector.extract_strided_slice %get3A_4 {offsets = [0, 2], sizes = [64, 1], strides = [1, 1]} : vector<64x10xf32> to vector<64x1xf32>
    %sub3A_51 = arith.subf %slice3A_31, %slice3A_50 : vector<64x1xf32>
    %abs3A_52 = math.absf %sub3A_51 : vector<64x1xf32>
    %slice3A_53 = vector.extract_strided_slice %dot_general3A_20 {offsets = [128, 0], sizes = [64, 256], strides = [1, 1]} : vector<640x256xf32> to vector<64x256xf32>
    %add3A_54 = arith.addf %slice3A, %slice3A_53 : vector<64x256xf32>
    %dot_general3A_55 = arith.constant dense<0.000000e+00> : vector<64x256xf32>
    %dot_general3A_56 = tpu.matmul %abs3A_52, %get3A_23, %dot_general3A_55 {dimension_numbers = #tpu.dot_dimension_numbers<[1], [0], [0], [1], [0, 0, 1, 1], [], []>, transpose_lhs_hint = false} : vector<64x1xf32>, vector<1x256xf32>, vector<64x256xf32> -> vector<64x256xf32>
    %add3A_57 = arith.addf %add3A_54, %dot_general3A_56 : vector<64x256xf32>
    %logistic3A_58 = arith.negf %add3A_57 : vector<64x256xf32>
    %logistic3A_59 = math.exp %logistic3A_58 : vector<64x256xf32>
    %logistic3A_60 = arith.constant 1.000000e+00 : f32
    %logistic3A_61 = vector.broadcast %logistic3A_60 : f32 to vector<64x256xf32>
    %logistic3A_62 = arith.addf %logistic3A_61, %logistic3A_59 : vector<64x256xf32>
    %logistic3A_63 = arith.divf %logistic3A_61, %logistic3A_62 : vector<64x256xf32>
    %mul3A_64 = arith.mulf %add3A_57, %logistic3A_63 : vector<64x256xf32>
    %slice3A_65 = vector.extract_strided_slice %get3A_7 {offsets = [0, 2], sizes = [64, 1], strides = [1, 1]} : vector<64x10xf32> to vector<64x1xf32>
    %mul3A_66 = arith.mulf %slice3A_32, %slice3A_65 : vector<64x1xf32>
    %dot_general3A_67 = arith.constant dense<0.000000e+00> : vector<64x256xf32>
    %dot_general3A_68 = tpu.matmul %mul3A_66, %broadcast_in_dim3A_28, %dot_general3A_67 {dimension_numbers = #tpu.dot_dimension_numbers<[1], [0], [0], [1], [0, 0, 1, 1], [], []>, transpose_lhs_hint = false} : vector<64x1xf32>, vector<1x256xf32>, vector<64x256xf32> -> vector<64x256xf32>
    %mul3A_69 = arith.mulf %mul3A_64, %dot_general3A_68 : vector<64x256xf32>
    %add3A_70 = arith.addf %add3A_49, %mul3A_69 : vector<64x256xf32>
    %slice3A_71 = vector.extract_strided_slice %get3A_4 {offsets = [0, 3], sizes = [64, 1], strides = [1, 1]} : vector<64x10xf32> to vector<64x1xf32>
    %sub3A_72 = arith.subf %slice3A_31, %slice3A_71 : vector<64x1xf32>
    %abs3A_73 = math.absf %sub3A_72 : vector<64x1xf32>
    %slice3A_74 = vector.extract_strided_slice %dot_general3A_20 {offsets = [192, 0], sizes = [64, 256], strides = [1, 1]} : vector<640x256xf32> to vector<64x256xf32>
    %add3A_75 = arith.addf %slice3A, %slice3A_74 : vector<64x256xf32>
    %dot_general3A_76 = arith.constant dense<0.000000e+00> : vector<64x256xf32>
    %dot_general3A_77 = tpu.matmul %abs3A_73, %get3A_23, %dot_general3A_76 {dimension_numbers = #tpu.dot_dimension_numbers<[1], [0], [0], [1], [0, 0, 1, 1], [], []>, transpose_lhs_hint = false} : vector<64x1xf32>, vector<1x256xf32>, vector<64x256xf32> -> vector<64x256xf32>
    %add3A_78 = arith.addf %add3A_75, %dot_general3A_77 : vector<64x256xf32>
    %logistic3A_79 = arith.negf %add3A_78 : vector<64x256xf32>
    %logistic3A_80 = math.exp %logistic3A_79 : vector<64x256xf32>
    %logistic3A_81 = arith.constant 1.000000e+00 : f32
    %logistic3A_82 = vector.broadcast %logistic3A_81 : f32 to vector<64x256xf32>
    %logistic3A_83 = arith.addf %logistic3A_82, %logistic3A_80 : vector<64x256xf32>
    %logistic3A_84 = arith.divf %logistic3A_82, %logistic3A_83 : vector<64x256xf32>
    %mul3A_85 = arith.mulf %add3A_78, %logistic3A_84 : vector<64x256xf32>
    %slice3A_86 = vector.extract_strided_slice %get3A_7 {offsets = [0, 3], sizes = [64, 1], strides = [1, 1]} : vector<64x10xf32> to vector<64x1xf32>
    %mul3A_87 = arith.mulf %slice3A_32, %slice3A_86 : vector<64x1xf32>
    %dot_general3A_88 = arith.constant dense<0.000000e+00> : vector<64x256xf32>
    %dot_general3A_89 = tpu.matmul %mul3A_87, %broadcast_in_dim3A_28, %dot_general3A_88 {dimension_numbers = #tpu.dot_dimension_numbers<[1], [0], [0], [1], [0, 0, 1, 1], [], []>, transpose_lhs_hint = false} : vector<64x1xf32>, vector<1x256xf32>, vector<64x256xf32> -> vector<64x256xf32>
    %mul3A_90 = arith.mulf %mul3A_85, %dot_general3A_89 : vector<64x256xf32>
    %add3A_91 = arith.addf %add3A_70, %mul3A_90 : vector<64x256xf32>
    %slice3A_92 = vector.extract_strided_slice %get3A_4 {offsets = [0, 4], sizes = [64, 1], strides = [1, 1]} : vector<64x10xf32> to vector<64x1xf32>
    %sub3A_93 = arith.subf %slice3A_31, %slice3A_92 : vector<64x1xf32>
    %abs3A_94 = math.absf %sub3A_93 : vector<64x1xf32>
    %slice3A_95 = vector.extract_strided_slice %dot_general3A_20 {offsets = [256, 0], sizes = [64, 256], strides = [1, 1]} : vector<640x256xf32> to vector<64x256xf32>
    %add3A_96 = arith.addf %slice3A, %slice3A_95 : vector<64x256xf32>
    %dot_general3A_97 = arith.constant dense<0.000000e+00> : vector<64x256xf32>
    %dot_general3A_98 = tpu.matmul %abs3A_94, %get3A_23, %dot_general3A_97 {dimension_numbers = #tpu.dot_dimension_numbers<[1], [0], [0], [1], [0, 0, 1, 1], [], []>, transpose_lhs_hint = false} : vector<64x1xf32>, vector<1x256xf32>, vector<64x256xf32> -> vector<64x256xf32>
    %add3A_99 = arith.addf %add3A_96, %dot_general3A_98 : vector<64x256xf32>
    %logistic3A_100 = arith.negf %add3A_99 : vector<64x256xf32>
    %logistic3A_101 = math.exp %logistic3A_100 : vector<64x256xf32>
    %logistic3A_102 = arith.constant 1.000000e+00 : f32
    %logistic3A_103 = vector.broadcast %logistic3A_102 : f32 to vector<64x256xf32>
    %logistic3A_104 = arith.addf %logistic3A_103, %logistic3A_101 : vector<64x256xf32>
    %logistic3A_105 = arith.divf %logistic3A_103, %logistic3A_104 : vector<64x256xf32>
    %mul3A_106 = arith.mulf %add3A_99, %logistic3A_105 : vector<64x256xf32>
    %slice3A_107 = vector.extract_strided_slice %get3A_7 {offsets = [0, 4], sizes = [64, 1], strides = [1, 1]} : vector<64x10xf32> to vector<64x1xf32>
    %mul3A_108 = arith.mulf %slice3A_32, %slice3A_107 : vector<64x1xf32>
    %dot_general3A_109 = arith.constant dense<0.000000e+00> : vector<64x256xf32>
    %dot_general3A_110 = tpu.matmul %mul3A_108, %broadcast_in_dim3A_28, %dot_general3A_109 {dimension_numbers = #tpu.dot_dimension_numbers<[1], [0], [0], [1], [0, 0, 1, 1], [], []>, transpose_lhs_hint = false} : vector<64x1xf32>, vector<1x256xf32>, vector<64x256xf32> -> vector<64x256xf32>
    %mul3A_111 = arith.mulf %mul3A_106, %dot_general3A_110 : vector<64x256xf32>
    %add3A_112 = arith.addf %add3A_91, %mul3A_111 : vector<64x256xf32>
    %slice3A_113 = vector.extract_strided_slice %get3A_4 {offsets = [0, 5], sizes = [64, 1], strides = [1, 1]} : vector<64x10xf32> to vector<64x1xf32>
    %sub3A_114 = arith.subf %slice3A_31, %slice3A_113 : vector<64x1xf32>
    %abs3A_115 = math.absf %sub3A_114 : vector<64x1xf32>
    %slice3A_116 = vector.extract_strided_slice %dot_general3A_20 {offsets = [320, 0], sizes = [64, 256], strides = [1, 1]} : vector<640x256xf32> to vector<64x256xf32>
    %add3A_117 = arith.addf %slice3A, %slice3A_116 : vector<64x256xf32>
    %dot_general3A_118 = arith.constant dense<0.000000e+00> : vector<64x256xf32>
    %dot_general3A_119 = tpu.matmul %abs3A_115, %get3A_23, %dot_general3A_118 {dimension_numbers = #tpu.dot_dimension_numbers<[1], [0], [0], [1], [0, 0, 1, 1], [], []>, transpose_lhs_hint = false} : vector<64x1xf32>, vector<1x256xf32>, vector<64x256xf32> -> vector<64x256xf32>
    %add3A_120 = arith.addf %add3A_117, %dot_general3A_119 : vector<64x256xf32>
    %logistic3A_121 = arith.negf %add3A_120 : vector<64x256xf32>
    %logistic3A_122 = math.exp %logistic3A_121 : vector<64x256xf32>
    %logistic3A_123 = arith.constant 1.000000e+00 : f32
    %logistic3A_124 = vector.broadcast %logistic3A_123 : f32 to vector<64x256xf32>
    %logistic3A_125 = arith.addf %logistic3A_124, %logistic3A_122 : vector<64x256xf32>
    %logistic3A_126 = arith.divf %logistic3A_124, %logistic3A_125 : vector<64x256xf32>
    %mul3A_127 = arith.mulf %add3A_120, %logistic3A_126 : vector<64x256xf32>
    %slice3A_128 = vector.extract_strided_slice %get3A_7 {offsets = [0, 5], sizes = [64, 1], strides = [1, 1]} : vector<64x10xf32> to vector<64x1xf32>
    %mul3A_129 = arith.mulf %slice3A_32, %slice3A_128 : vector<64x1xf32>
    %dot_general3A_130 = arith.constant dense<0.000000e+00> : vector<64x256xf32>
    %dot_general3A_131 = tpu.matmul %mul3A_129, %broadcast_in_dim3A_28, %dot_general3A_130 {dimension_numbers = #tpu.dot_dimension_numbers<[1], [0], [0], [1], [0, 0, 1, 1], [], []>, transpose_lhs_hint = false} : vector<64x1xf32>, vector<1x256xf32>, vector<64x256xf32> -> vector<64x256xf32>
    %mul3A_132 = arith.mulf %mul3A_127, %dot_general3A_131 : vector<64x256xf32>
    %add3A_133 = arith.addf %add3A_112, %mul3A_132 : vector<64x256xf32>
    %slice3A_134 = vector.extract_strided_slice %get3A_4 {offsets = [0, 6], sizes = [64, 1], strides = [1, 1]} : vector<64x10xf32> to vector<64x1xf32>
    %sub3A_135 = arith.subf %slice3A_31, %slice3A_134 : vector<64x1xf32>
    %abs3A_136 = math.absf %sub3A_135 : vector<64x1xf32>
    %slice3A_137 = vector.extract_strided_slice %dot_general3A_20 {offsets = [384, 0], sizes = [64, 256], strides = [1, 1]} : vector<640x256xf32> to vector<64x256xf32>
    %add3A_138 = arith.addf %slice3A, %slice3A_137 : vector<64x256xf32>
    %dot_general3A_139 = arith.constant dense<0.000000e+00> : vector<64x256xf32>
    %dot_general3A_140 = tpu.matmul %abs3A_136, %get3A_23, %dot_general3A_139 {dimension_numbers = #tpu.dot_dimension_numbers<[1], [0], [0], [1], [0, 0, 1, 1], [], []>, transpose_lhs_hint = false} : vector<64x1xf32>, vector<1x256xf32>, vector<64x256xf32> -> vector<64x256xf32>
    %add3A_141 = arith.addf %add3A_138, %dot_general3A_140 : vector<64x256xf32>
    %logistic3A_142 = arith.negf %add3A_141 : vector<64x256xf32>
    %logistic3A_143 = math.exp %logistic3A_142 : vector<64x256xf32>
    %logistic3A_144 = arith.constant 1.000000e+00 : f32
    %logistic3A_145 = vector.broadcast %logistic3A_144 : f32 to vector<64x256xf32>
    %logistic3A_146 = arith.addf %logistic3A_145, %logistic3A_143 : vector<64x256xf32>
    %logistic3A_147 = arith.divf %logistic3A_145, %logistic3A_146 : vector<64x256xf32>
    %mul3A_148 = arith.mulf %add3A_141, %logistic3A_147 : vector<64x256xf32>
    %slice3A_149 = vector.extract_strided_slice %get3A_7 {offsets = [0, 6], sizes = [64, 1], strides = [1, 1]} : vector<64x10xf32> to vector<64x1xf32>
    %mul3A_150 = arith.mulf %slice3A_32, %slice3A_149 : vector<64x1xf32>
    %dot_general3A_151 = arith.constant dense<0.000000e+00> : vector<64x256xf32>
    %dot_general3A_152 = tpu.matmul %mul3A_150, %broadcast_in_dim3A_28, %dot_general3A_151 {dimension_numbers = #tpu.dot_dimension_numbers<[1], [0], [0], [1], [0, 0, 1, 1], [], []>, transpose_lhs_hint = false} : vector<64x1xf32>, vector<1x256xf32>, vector<64x256xf32> -> vector<64x256xf32>
    %mul3A_153 = arith.mulf %mul3A_148, %dot_general3A_152 : vector<64x256xf32>
    %add3A_154 = arith.addf %add3A_133, %mul3A_153 : vector<64x256xf32>
    %slice3A_155 = vector.extract_strided_slice %get3A_4 {offsets = [0, 7], sizes = [64, 1], strides = [1, 1]} : vector<64x10xf32> to vector<64x1xf32>
    %sub3A_156 = arith.subf %slice3A_31, %slice3A_155 : vector<64x1xf32>
    %abs3A_157 = math.absf %sub3A_156 : vector<64x1xf32>
    %slice3A_158 = vector.extract_strided_slice %dot_general3A_20 {offsets = [448, 0], sizes = [64, 256], strides = [1, 1]} : vector<640x256xf32> to vector<64x256xf32>
    %add3A_159 = arith.addf %slice3A, %slice3A_158 : vector<64x256xf32>
    %dot_general3A_160 = arith.constant dense<0.000000e+00> : vector<64x256xf32>
    %dot_general3A_161 = tpu.matmul %abs3A_157, %get3A_23, %dot_general3A_160 {dimension_numbers = #tpu.dot_dimension_numbers<[1], [0], [0], [1], [0, 0, 1, 1], [], []>, transpose_lhs_hint = false} : vector<64x1xf32>, vector<1x256xf32>, vector<64x256xf32> -> vector<64x256xf32>
    %add3A_162 = arith.addf %add3A_159, %dot_general3A_161 : vector<64x256xf32>
    %logistic3A_163 = arith.negf %add3A_162 : vector<64x256xf32>
    %logistic3A_164 = math.exp %logistic3A_163 : vector<64x256xf32>
    %logistic3A_165 = arith.constant 1.000000e+00 : f32
    %logistic3A_166 = vector.broadcast %logistic3A_165 : f32 to vector<64x256xf32>
    %logistic3A_167 = arith.addf %logistic3A_166, %logistic3A_164 : vector<64x256xf32>
    %logistic3A_168 = arith.divf %logistic3A_166, %logistic3A_167 : vector<64x256xf32>
    %mul3A_169 = arith.mulf %add3A_162, %logistic3A_168 : vector<64x256xf32>
    %slice3A_170 = vector.extract_strided_slice %get3A_7 {offsets = [0, 7], sizes = [64, 1], strides = [1, 1]} : vector<64x10xf32> to vector<64x1xf32>
    %mul3A_171 = arith.mulf %slice3A_32, %slice3A_170 : vector<64x1xf32>
    %dot_general3A_172 = arith.constant dense<0.000000e+00> : vector<64x256xf32>
    %dot_general3A_173 = tpu.matmul %mul3A_171, %broadcast_in_dim3A_28, %dot_general3A_172 {dimension_numbers = #tpu.dot_dimension_numbers<[1], [0], [0], [1], [0, 0, 1, 1], [], []>, transpose_lhs_hint = false} : vector<64x1xf32>, vector<1x256xf32>, vector<64x256xf32> -> vector<64x256xf32>
    %mul3A_174 = arith.mulf %mul3A_169, %dot_general3A_173 : vector<64x256xf32>
    %add3A_175 = arith.addf %add3A_154, %mul3A_174 : vector<64x256xf32>
    %slice3A_176 = vector.extract_strided_slice %get3A_4 {offsets = [0, 8], sizes = [64, 1], strides = [1, 1]} : vector<64x10xf32> to vector<64x1xf32>
    %sub3A_177 = arith.subf %slice3A_31, %slice3A_176 : vector<64x1xf32>
    %abs3A_178 = math.absf %sub3A_177 : vector<64x1xf32>
    %slice3A_179 = vector.extract_strided_slice %dot_general3A_20 {offsets = [512, 0], sizes = [64, 256], strides = [1, 1]} : vector<640x256xf32> to vector<64x256xf32>
    %add3A_180 = arith.addf %slice3A, %slice3A_179 : vector<64x256xf32>
    %dot_general3A_181 = arith.constant dense<0.000000e+00> : vector<64x256xf32>
    %dot_general3A_182 = tpu.matmul %abs3A_178, %get3A_23, %dot_general3A_181 {dimension_numbers = #tpu.dot_dimension_numbers<[1], [0], [0], [1], [0, 0, 1, 1], [], []>, transpose_lhs_hint = false} : vector<64x1xf32>, vector<1x256xf32>, vector<64x256xf32> -> vector<64x256xf32>
    %add3A_183 = arith.addf %add3A_180, %dot_general3A_182 : vector<64x256xf32>
    %logistic3A_184 = arith.negf %add3A_183 : vector<64x256xf32>
    %logistic3A_185 = math.exp %logistic3A_184 : vector<64x256xf32>
    %logistic3A_186 = arith.constant 1.000000e+00 : f32
    %logistic3A_187 = vector.broadcast %logistic3A_186 : f32 to vector<64x256xf32>
    %logistic3A_188 = arith.addf %logistic3A_187, %logistic3A_185 : vector<64x256xf32>
    %logistic3A_189 = arith.divf %logistic3A_187, %logistic3A_188 : vector<64x256xf32>
    %mul3A_190 = arith.mulf %add3A_183, %logistic3A_189 : vector<64x256xf32>
    %slice3A_191 = vector.extract_strided_slice %get3A_7 {offsets = [0, 8], sizes = [64, 1], strides = [1, 1]} : vector<64x10xf32> to vector<64x1xf32>
    %mul3A_192 = arith.mulf %slice3A_32, %slice3A_191 : vector<64x1xf32>
    %dot_general3A_193 = arith.constant dense<0.000000e+00> : vector<64x256xf32>
    %dot_general3A_194 = tpu.matmul %mul3A_192, %broadcast_in_dim3A_28, %dot_general3A_193 {dimension_numbers = #tpu.dot_dimension_numbers<[1], [0], [0], [1], [0, 0, 1, 1], [], []>, transpose_lhs_hint = false} : vector<64x1xf32>, vector<1x256xf32>, vector<64x256xf32> -> vector<64x256xf32>
    %mul3A_195 = arith.mulf %mul3A_190, %dot_general3A_194 : vector<64x256xf32>
    %add3A_196 = arith.addf %add3A_175, %mul3A_195 : vector<64x256xf32>
    %slice3A_197 = vector.extract_strided_slice %get3A_4 {offsets = [0, 9], sizes = [64, 1], strides = [1, 1]} : vector<64x10xf32> to vector<64x1xf32>
    %sub3A_198 = arith.subf %slice3A_31, %slice3A_197 : vector<64x1xf32>
    %abs3A_199 = math.absf %sub3A_198 : vector<64x1xf32>
    %slice3A_200 = vector.extract_strided_slice %dot_general3A_20 {offsets = [576, 0], sizes = [64, 256], strides = [1, 1]} : vector<640x256xf32> to vector<64x256xf32>
    %add3A_201 = arith.addf %slice3A, %slice3A_200 : vector<64x256xf32>
    %dot_general3A_202 = arith.constant dense<0.000000e+00> : vector<64x256xf32>
    %dot_general3A_203 = tpu.matmul %abs3A_199, %get3A_23, %dot_general3A_202 {dimension_numbers = #tpu.dot_dimension_numbers<[1], [0], [0], [1], [0, 0, 1, 1], [], []>, transpose_lhs_hint = false} : vector<64x1xf32>, vector<1x256xf32>, vector<64x256xf32> -> vector<64x256xf32>
    %add3A_204 = arith.addf %add3A_201, %dot_general3A_203 : vector<64x256xf32>
    %logistic3A_205 = arith.negf %add3A_204 : vector<64x256xf32>
    %logistic3A_206 = math.exp %logistic3A_205 : vector<64x256xf32>
    %logistic3A_207 = arith.constant 1.000000e+00 : f32
    %logistic3A_208 = vector.broadcast %logistic3A_207 : f32 to vector<64x256xf32>
    %logistic3A_209 = arith.addf %logistic3A_208, %logistic3A_206 : vector<64x256xf32>
    %logistic3A_210 = arith.divf %logistic3A_208, %logistic3A_209 : vector<64x256xf32>
    %mul3A_211 = arith.mulf %add3A_204, %logistic3A_210 : vector<64x256xf32>
    %slice3A_212 = vector.extract_strided_slice %get3A_7 {offsets = [0, 9], sizes = [64, 1], strides = [1, 1]} : vector<64x10xf32> to vector<64x1xf32>
    %mul3A_213 = arith.mulf %slice3A_32, %slice3A_212 : vector<64x1xf32>
    %dot_general3A_214 = arith.constant dense<0.000000e+00> : vector<64x256xf32>
    %dot_general3A_215 = tpu.matmul %mul3A_213, %broadcast_in_dim3A_28, %dot_general3A_214 {dimension_numbers = #tpu.dot_dimension_numbers<[1], [0], [0], [1], [0, 0, 1, 1], [], []>, transpose_lhs_hint = false} : vector<64x1xf32>, vector<1x256xf32>, vector<64x256xf32> -> vector<64x256xf32>
    %mul3A_216 = arith.mulf %mul3A_211, %dot_general3A_215 : vector<64x256xf32>
    %add3A_217 = arith.addf %add3A_196, %mul3A_216 : vector<64x256xf32>
    %slice3A_218 = vector.extract_strided_slice %add3A_15 {offsets = [64, 0], sizes = [64, 256], strides = [1, 1]} : vector<640x256xf32> to vector<64x256xf32>
    %slice3A_219 = vector.extract_strided_slice %get3A_4 {offsets = [0, 1], sizes = [64, 1], strides = [1, 1]} : vector<64x10xf32> to vector<64x1xf32>
    %slice3A_220 = vector.extract_strided_slice %get3A_7 {offsets = [0, 1], sizes = [64, 1], strides = [1, 1]} : vector<64x10xf32> to vector<64x1xf32>
    %slice3A_221 = vector.extract_strided_slice %get3A_4 {offsets = [0, 2], sizes = [64, 1], strides = [1, 1]} : vector<64x10xf32> to vector<64x1xf32>
    %sub3A_222 = arith.subf %slice3A_219, %slice3A_221 : vector<64x1xf32>
    %abs3A_223 = math.absf %sub3A_222 : vector<64x1xf32>
    %slice3A_224 = vector.extract_strided_slice %dot_general3A_20 {offsets = [128, 0], sizes = [64, 256], strides = [1, 1]} : vector<640x256xf32> to vector<64x256xf32>
    %add3A_225 = arith.addf %slice3A_218, %slice3A_224 : vector<64x256xf32>
    %dot_general3A_226 = arith.constant dense<0.000000e+00> : vector<64x256xf32>
    %dot_general3A_227 = tpu.matmul %abs3A_223, %get3A_23, %dot_general3A_226 {dimension_numbers = #tpu.dot_dimension_numbers<[1], [0], [0], [1], [0, 0, 1, 1], [], []>, transpose_lhs_hint = false} : vector<64x1xf32>, vector<1x256xf32>, vector<64x256xf32> -> vector<64x256xf32>
    %add3A_228 = arith.addf %add3A_225, %dot_general3A_227 : vector<64x256xf32>
    %logistic3A_229 = arith.negf %add3A_228 : vector<64x256xf32>
    %logistic3A_230 = math.exp %logistic3A_229 : vector<64x256xf32>
    %logistic3A_231 = arith.constant 1.000000e+00 : f32
    %logistic3A_232 = vector.broadcast %logistic3A_231 : f32 to vector<64x256xf32>
    %logistic3A_233 = arith.addf %logistic3A_232, %logistic3A_230 : vector<64x256xf32>
    %logistic3A_234 = arith.divf %logistic3A_232, %logistic3A_233 : vector<64x256xf32>
    %mul3A_235 = arith.mulf %add3A_228, %logistic3A_234 : vector<64x256xf32>
    %slice3A_236 = vector.extract_strided_slice %get3A_7 {offsets = [0, 2], sizes = [64, 1], strides = [1, 1]} : vector<64x10xf32> to vector<64x1xf32>
    %mul3A_237 = arith.mulf %slice3A_220, %slice3A_236 : vector<64x1xf32>
    %dot_general3A_238 = arith.constant dense<0.000000e+00> : vector<64x256xf32>
    %dot_general3A_239 = tpu.matmul %mul3A_237, %broadcast_in_dim3A_28, %dot_general3A_238 {dimension_numbers = #tpu.dot_dimension_numbers<[1], [0], [0], [1], [0, 0, 1, 1], [], []>, transpose_lhs_hint = false} : vector<64x1xf32>, vector<1x256xf32>, vector<64x256xf32> -> vector<64x256xf32>
    %mul3A_240 = arith.mulf %mul3A_235, %dot_general3A_239 : vector<64x256xf32>
    %add3A_241 = arith.addf %add3A_217, %mul3A_240 : vector<64x256xf32>
    %slice3A_242 = vector.extract_strided_slice %get3A_4 {offsets = [0, 3], sizes = [64, 1], strides = [1, 1]} : vector<64x10xf32> to vector<64x1xf32>
    %sub3A_243 = arith.subf %slice3A_219, %slice3A_242 : vector<64x1xf32>
    %abs3A_244 = math.absf %sub3A_243 : vector<64x1xf32>
    %slice3A_245 = vector.extract_strided_slice %dot_general3A_20 {offsets = [192, 0], sizes = [64, 256], strides = [1, 1]} : vector<640x256xf32> to vector<64x256xf32>
    %add3A_246 = arith.addf %slice3A_218, %slice3A_245 : vector<64x256xf32>
    %dot_general3A_247 = arith.constant dense<0.000000e+00> : vector<64x256xf32>
    %dot_general3A_248 = tpu.matmul %abs3A_244, %get3A_23, %dot_general3A_247 {dimension_numbers = #tpu.dot_dimension_numbers<[1], [0], [0], [1], [0, 0, 1, 1], [], []>, transpose_lhs_hint = false} : vector<64x1xf32>, vector<1x256xf32>, vector<64x256xf32> -> vector<64x256xf32>
    %add3A_249 = arith.addf %add3A_246, %dot_general3A_248 : vector<64x256xf32>
    %logistic3A_250 = arith.negf %add3A_249 : vector<64x256xf32>
    %logistic3A_251 = math.exp %logistic3A_250 : vector<64x256xf32>
    %logistic3A_252 = arith.constant 1.000000e+00 : f32
    %logistic3A_253 = vector.broadcast %logistic3A_252 : f32 to vector<64x256xf32>
    %logistic3A_254 = arith.addf %logistic3A_253, %logistic3A_251 : vector<64x256xf32>
    %logistic3A_255 = arith.divf %logistic3A_253, %logistic3A_254 : vector<64x256xf32>
    %mul3A_256 = arith.mulf %add3A_249, %logistic3A_255 : vector<64x256xf32>
    %slice3A_257 = vector.extract_strided_slice %get3A_7 {offsets = [0, 3], sizes = [64, 1], strides = [1, 1]} : vector<64x10xf32> to vector<64x1xf32>
    %mul3A_258 = arith.mulf %slice3A_220, %slice3A_257 : vector<64x1xf32>
    %dot_general3A_259 = arith.constant dense<0.000000e+00> : vector<64x256xf32>
    %dot_general3A_260 = tpu.matmul %mul3A_258, %broadcast_in_dim3A_28, %dot_general3A_259 {dimension_numbers = #tpu.dot_dimension_numbers<[1], [0], [0], [1], [0, 0, 1, 1], [], []>, transpose_lhs_hint = false} : vector<64x1xf32>, vector<1x256xf32>, vector<64x256xf32> -> vector<64x256xf32>
    %mul3A_261 = arith.mulf %mul3A_256, %dot_general3A_260 : vector<64x256xf32>
    %add3A_262 = arith.addf %add3A_241, %mul3A_261 : vector<64x256xf32>
    %slice3A_263 = vector.extract_strided_slice %get3A_4 {offsets = [0, 4], sizes = [64, 1], strides = [1, 1]} : vector<64x10xf32> to vector<64x1xf32>
    %sub3A_264 = arith.subf %slice3A_219, %slice3A_263 : vector<64x1xf32>
    %abs3A_265 = math.absf %sub3A_264 : vector<64x1xf32>
    %slice3A_266 = vector.extract_strided_slice %dot_general3A_20 {offsets = [256, 0], sizes = [64, 256], strides = [1, 1]} : vector<640x256xf32> to vector<64x256xf32>
    %add3A_267 = arith.addf %slice3A_218, %slice3A_266 : vector<64x256xf32>
    %dot_general3A_268 = arith.constant dense<0.000000e+00> : vector<64x256xf32>
    %dot_general3A_269 = tpu.matmul %abs3A_265, %get3A_23, %dot_general3A_268 {dimension_numbers = #tpu.dot_dimension_numbers<[1], [0], [0], [1], [0, 0, 1, 1], [], []>, transpose_lhs_hint = false} : vector<64x1xf32>, vector<1x256xf32>, vector<64x256xf32> -> vector<64x256xf32>
    %add3A_270 = arith.addf %add3A_267, %dot_general3A_269 : vector<64x256xf32>
    %logistic3A_271 = arith.negf %add3A_270 : vector<64x256xf32>
    %logistic3A_272 = math.exp %logistic3A_271 : vector<64x256xf32>
    %logistic3A_273 = arith.constant 1.000000e+00 : f32
    %logistic3A_274 = vector.broadcast %logistic3A_273 : f32 to vector<64x256xf32>
    %logistic3A_275 = arith.addf %logistic3A_274, %logistic3A_272 : vector<64x256xf32>
    %logistic3A_276 = arith.divf %logistic3A_274, %logistic3A_275 : vector<64x256xf32>
    %mul3A_277 = arith.mulf %add3A_270, %logistic3A_276 : vector<64x256xf32>
    %slice3A_278 = vector.extract_strided_slice %get3A_7 {offsets = [0, 4], sizes = [64, 1], strides = [1, 1]} : vector<64x10xf32> to vector<64x1xf32>
    %mul3A_279 = arith.mulf %slice3A_220, %slice3A_278 : vector<64x1xf32>
    %dot_general3A_280 = arith.constant dense<0.000000e+00> : vector<64x256xf32>
    %dot_general3A_281 = tpu.matmul %mul3A_279, %broadcast_in_dim3A_28, %dot_general3A_280 {dimension_numbers = #tpu.dot_dimension_numbers<[1], [0], [0], [1], [0, 0, 1, 1], [], []>, transpose_lhs_hint = false} : vector<64x1xf32>, vector<1x256xf32>, vector<64x256xf32> -> vector<64x256xf32>
    %mul3A_282 = arith.mulf %mul3A_277, %dot_general3A_281 : vector<64x256xf32>
    %add3A_283 = arith.addf %add3A_262, %mul3A_282 : vector<64x256xf32>
    %slice3A_284 = vector.extract_strided_slice %get3A_4 {offsets = [0, 5], sizes = [64, 1], strides = [1, 1]} : vector<64x10xf32> to vector<64x1xf32>
    %sub3A_285 = arith.subf %slice3A_219, %slice3A_284 : vector<64x1xf32>
    %abs3A_286 = math.absf %sub3A_285 : vector<64x1xf32>
    %slice3A_287 = vector.extract_strided_slice %dot_general3A_20 {offsets = [320, 0], sizes = [64, 256], strides = [1, 1]} : vector<640x256xf32> to vector<64x256xf32>
    %add3A_288 = arith.addf %slice3A_218, %slice3A_287 : vector<64x256xf32>
    %dot_general3A_289 = arith.constant dense<0.000000e+00> : vector<64x256xf32>
    %dot_general3A_290 = tpu.matmul %abs3A_286, %get3A_23, %dot_general3A_289 {dimension_numbers = #tpu.dot_dimension_numbers<[1], [0], [0], [1], [0, 0, 1, 1], [], []>, transpose_lhs_hint = false} : vector<64x1xf32>, vector<1x256xf32>, vector<64x256xf32> -> vector<64x256xf32>
    %add3A_291 = arith.addf %add3A_288, %dot_general3A_290 : vector<64x256xf32>
    %logistic3A_292 = arith.negf %add3A_291 : vector<64x256xf32>
    %logistic3A_293 = math.exp %logistic3A_292 : vector<64x256xf32>
    %logistic3A_294 = arith.constant 1.000000e+00 : f32
    %logistic3A_295 = vector.broadcast %logistic3A_294 : f32 to vector<64x256xf32>
    %logistic3A_296 = arith.addf %logistic3A_295, %logistic3A_293 : vector<64x256xf32>
    %logistic3A_297 = arith.divf %logistic3A_295, %logistic3A_296 : vector<64x256xf32>
    %mul3A_298 = arith.mulf %add3A_291, %logistic3A_297 : vector<64x256xf32>
    %slice3A_299 = vector.extract_strided_slice %get3A_7 {offsets = [0, 5], sizes = [64, 1], strides = [1, 1]} : vector<64x10xf32> to vector<64x1xf32>
    %mul3A_300 = arith.mulf %slice3A_220, %slice3A_299 : vector<64x1xf32>
    %dot_general3A_301 = arith.constant dense<0.000000e+00> : vector<64x256xf32>
    %dot_general3A_302 = tpu.matmul %mul3A_300, %broadcast_in_dim3A_28, %dot_general3A_301 {dimension_numbers = #tpu.dot_dimension_numbers<[1], [0], [0], [1], [0, 0, 1, 1], [], []>, transpose_lhs_hint = false} : vector<64x1xf32>, vector<1x256xf32>, vector<64x256xf32> -> vector<64x256xf32>
    %mul3A_303 = arith.mulf %mul3A_298, %dot_general3A_302 : vector<64x256xf32>
    %add3A_304 = arith.addf %add3A_283, %mul3A_303 : vector<64x256xf32>
    %slice3A_305 = vector.extract_strided_slice %get3A_4 {offsets = [0, 6], sizes = [64, 1], strides = [1, 1]} : vector<64x10xf32> to vector<64x1xf32>
    %sub3A_306 = arith.subf %slice3A_219, %slice3A_305 : vector<64x1xf32>
    %abs3A_307 = math.absf %sub3A_306 : vector<64x1xf32>
    %slice3A_308 = vector.extract_strided_slice %dot_general3A_20 {offsets = [384, 0], sizes = [64, 256], strides = [1, 1]} : vector<640x256xf32> to vector<64x256xf32>
    %add3A_309 = arith.addf %slice3A_218, %slice3A_308 : vector<64x256xf32>
    %dot_general3A_310 = arith.constant dense<0.000000e+00> : vector<64x256xf32>
    %dot_general3A_311 = tpu.matmul %abs3A_307, %get3A_23, %dot_general3A_310 {dimension_numbers = #tpu.dot_dimension_numbers<[1], [0], [0], [1], [0, 0, 1, 1], [], []>, transpose_lhs_hint = false} : vector<64x1xf32>, vector<1x256xf32>, vector<64x256xf32> -> vector<64x256xf32>
    %add3A_312 = arith.addf %add3A_309, %dot_general3A_311 : vector<64x256xf32>
    %logistic3A_313 = arith.negf %add3A_312 : vector<64x256xf32>
    %logistic3A_314 = math.exp %logistic3A_313 : vector<64x256xf32>
    %logistic3A_315 = arith.constant 1.000000e+00 : f32
    %logistic3A_316 = vector.broadcast %logistic3A_315 : f32 to vector<64x256xf32>
    %logistic3A_317 = arith.addf %logistic3A_316, %logistic3A_314 : vector<64x256xf32>
    %logistic3A_318 = arith.divf %logistic3A_316, %logistic3A_317 : vector<64x256xf32>
    %mul3A_319 = arith.mulf %add3A_312, %logistic3A_318 : vector<64x256xf32>
    %slice3A_320 = vector.extract_strided_slice %get3A_7 {offsets = [0, 6], sizes = [64, 1], strides = [1, 1]} : vector<64x10xf32> to vector<64x1xf32>
    %mul3A_321 = arith.mulf %slice3A_220, %slice3A_320 : vector<64x1xf32>
    %dot_general3A_322 = arith.constant dense<0.000000e+00> : vector<64x256xf32>
    %dot_general3A_323 = tpu.matmul %mul3A_321, %broadcast_in_dim3A_28, %dot_general3A_322 {dimension_numbers = #tpu.dot_dimension_numbers<[1], [0], [0], [1], [0, 0, 1, 1], [], []>, transpose_lhs_hint = false} : vector<64x1xf32>, vector<1x256xf32>, vector<64x256xf32> -> vector<64x256xf32>
    %mul3A_324 = arith.mulf %mul3A_319, %dot_general3A_323 : vector<64x256xf32>
    %add3A_325 = arith.addf %add3A_304, %mul3A_324 : vector<64x256xf32>
    %slice3A_326 = vector.extract_strided_slice %get3A_4 {offsets = [0, 7], sizes = [64, 1], strides = [1, 1]} : vector<64x10xf32> to vector<64x1xf32>
    %sub3A_327 = arith.subf %slice3A_219, %slice3A_326 : vector<64x1xf32>
    %abs3A_328 = math.absf %sub3A_327 : vector<64x1xf32>
    %slice3A_329 = vector.extract_strided_slice %dot_general3A_20 {offsets = [448, 0], sizes = [64, 256], strides = [1, 1]} : vector<640x256xf32> to vector<64x256xf32>
    %add3A_330 = arith.addf %slice3A_218, %slice3A_329 : vector<64x256xf32>
    %dot_general3A_331 = arith.constant dense<0.000000e+00> : vector<64x256xf32>
    %dot_general3A_332 = tpu.matmul %abs3A_328, %get3A_23, %dot_general3A_331 {dimension_numbers = #tpu.dot_dimension_numbers<[1], [0], [0], [1], [0, 0, 1, 1], [], []>, transpose_lhs_hint = false} : vector<64x1xf32>, vector<1x256xf32>, vector<64x256xf32> -> vector<64x256xf32>
    %add3A_333 = arith.addf %add3A_330, %dot_general3A_332 : vector<64x256xf32>
    %logistic3A_334 = arith.negf %add3A_333 : vector<64x256xf32>
    %logistic3A_335 = math.exp %logistic3A_334 : vector<64x256xf32>
    %logistic3A_336 = arith.constant 1.000000e+00 : f32
    %logistic3A_337 = vector.broadcast %logistic3A_336 : f32 to vector<64x256xf32>
    %logistic3A_338 = arith.addf %logistic3A_337, %logistic3A_335 : vector<64x256xf32>
    %logistic3A_339 = arith.divf %logistic3A_337, %logistic3A_338 : vector<64x256xf32>
    %mul3A_340 = arith.mulf %add3A_333, %logistic3A_339 : vector<64x256xf32>
    %slice3A_341 = vector.extract_strided_slice %get3A_7 {offsets = [0, 7], sizes = [64, 1], strides = [1, 1]} : vector<64x10xf32> to vector<64x1xf32>
    %mul3A_342 = arith.mulf %slice3A_220, %slice3A_341 : vector<64x1xf32>
    %dot_general3A_343 = arith.constant dense<0.000000e+00> : vector<64x256xf32>
    %dot_general3A_344 = tpu.matmul %mul3A_342, %broadcast_in_dim3A_28, %dot_general3A_343 {dimension_numbers = #tpu.dot_dimension_numbers<[1], [0], [0], [1], [0, 0, 1, 1], [], []>, transpose_lhs_hint = false} : vector<64x1xf32>, vector<1x256xf32>, vector<64x256xf32> -> vector<64x256xf32>
    %mul3A_345 = arith.mulf %mul3A_340, %dot_general3A_344 : vector<64x256xf32>
    %add3A_346 = arith.addf %add3A_325, %mul3A_345 : vector<64x256xf32>
    %slice3A_347 = vector.extract_strided_slice %get3A_4 {offsets = [0, 8], sizes = [64, 1], strides = [1, 1]} : vector<64x10xf32> to vector<64x1xf32>
    %sub3A_348 = arith.subf %slice3A_219, %slice3A_347 : vector<64x1xf32>
    %abs3A_349 = math.absf %sub3A_348 : vector<64x1xf32>
    %slice3A_350 = vector.extract_strided_slice %dot_general3A_20 {offsets = [512, 0], sizes = [64, 256], strides = [1, 1]} : vector<640x256xf32> to vector<64x256xf32>
    %add3A_351 = arith.addf %slice3A_218, %slice3A_350 : vector<64x256xf32>
    %dot_general3A_352 = arith.constant dense<0.000000e+00> : vector<64x256xf32>
    %dot_general3A_353 = tpu.matmul %abs3A_349, %get3A_23, %dot_general3A_352 {dimension_numbers = #tpu.dot_dimension_numbers<[1], [0], [0], [1], [0, 0, 1, 1], [], []>, transpose_lhs_hint = false} : vector<64x1xf32>, vector<1x256xf32>, vector<64x256xf32> -> vector<64x256xf32>
    %add3A_354 = arith.addf %add3A_351, %dot_general3A_353 : vector<64x256xf32>
    %logistic3A_355 = arith.negf %add3A_354 : vector<64x256xf32>
    %logistic3A_356 = math.exp %logistic3A_355 : vector<64x256xf32>
    %logistic3A_357 = arith.constant 1.000000e+00 : f32
    %logistic3A_358 = vector.broadcast %logistic3A_357 : f32 to vector<64x256xf32>
    %logistic3A_359 = arith.addf %logistic3A_358, %logistic3A_356 : vector<64x256xf32>
    %logistic3A_360 = arith.divf %logistic3A_358, %logistic3A_359 : vector<64x256xf32>
    %mul3A_361 = arith.mulf %add3A_354, %logistic3A_360 : vector<64x256xf32>
    %slice3A_362 = vector.extract_strided_slice %get3A_7 {offsets = [0, 8], sizes = [64, 1], strides = [1, 1]} : vector<64x10xf32> to vector<64x1xf32>
    %mul3A_363 = arith.mulf %slice3A_220, %slice3A_362 : vector<64x1xf32>
    %dot_general3A_364 = arith.constant dense<0.000000e+00> : vector<64x256xf32>
    %dot_general3A_365 = tpu.matmul %mul3A_363, %broadcast_in_dim3A_28, %dot_general3A_364 {dimension_numbers = #tpu.dot_dimension_numbers<[1], [0], [0], [1], [0, 0, 1, 1], [], []>, transpose_lhs_hint = false} : vector<64x1xf32>, vector<1x256xf32>, vector<64x256xf32> -> vector<64x256xf32>
    %mul3A_366 = arith.mulf %mul3A_361, %dot_general3A_365 : vector<64x256xf32>
    %add3A_367 = arith.addf %add3A_346, %mul3A_366 : vector<64x256xf32>
    %slice3A_368 = vector.extract_strided_slice %get3A_4 {offsets = [0, 9], sizes = [64, 1], strides = [1, 1]} : vector<64x10xf32> to vector<64x1xf32>
    %sub3A_369 = arith.subf %slice3A_219, %slice3A_368 : vector<64x1xf32>
    %abs3A_370 = math.absf %sub3A_369 : vector<64x1xf32>
    %slice3A_371 = vector.extract_strided_slice %dot_general3A_20 {offsets = [576, 0], sizes = [64, 256], strides = [1, 1]} : vector<640x256xf32> to vector<64x256xf32>
    %add3A_372 = arith.addf %slice3A_218, %slice3A_371 : vector<64x256xf32>
    %dot_general3A_373 = arith.constant dense<0.000000e+00> : vector<64x256xf32>
    %dot_general3A_374 = tpu.matmul %abs3A_370, %get3A_23, %dot_general3A_373 {dimension_numbers = #tpu.dot_dimension_numbers<[1], [0], [0], [1], [0, 0, 1, 1], [], []>, transpose_lhs_hint = false} : vector<64x1xf32>, vector<1x256xf32>, vector<64x256xf32> -> vector<64x256xf32>
    %add3A_375 = arith.addf %add3A_372, %dot_general3A_374 : vector<64x256xf32>
    %logistic3A_376 = arith.negf %add3A_375 : vector<64x256xf32>
    %logistic3A_377 = math.exp %logistic3A_376 : vector<64x256xf32>
    %logistic3A_378 = arith.constant 1.000000e+00 : f32
    %logistic3A_379 = vector.broadcast %logistic3A_378 : f32 to vector<64x256xf32>
    %logistic3A_380 = arith.addf %logistic3A_379, %logistic3A_377 : vector<64x256xf32>
    %logistic3A_381 = arith.divf %logistic3A_379, %logistic3A_380 : vector<64x256xf32>
    %mul3A_382 = arith.mulf %add3A_375, %logistic3A_381 : vector<64x256xf32>
    %slice3A_383 = vector.extract_strided_slice %get3A_7 {offsets = [0, 9], sizes = [64, 1], strides = [1, 1]} : vector<64x10xf32> to vector<64x1xf32>
    %mul3A_384 = arith.mulf %slice3A_220, %slice3A_383 : vector<64x1xf32>
    %dot_general3A_385 = arith.constant dense<0.000000e+00> : vector<64x256xf32>
    %dot_general3A_386 = tpu.matmul %mul3A_384, %broadcast_in_dim3A_28, %dot_general3A_385 {dimension_numbers = #tpu.dot_dimension_numbers<[1], [0], [0], [1], [0, 0, 1, 1], [], []>, transpose_lhs_hint = false} : vector<64x1xf32>, vector<1x256xf32>, vector<64x256xf32> -> vector<64x256xf32>
    %mul3A_387 = arith.mulf %mul3A_382, %dot_general3A_386 : vector<64x256xf32>
    %add3A_388 = arith.addf %add3A_367, %mul3A_387 : vector<64x256xf32>
    %slice3A_389 = vector.extract_strided_slice %add3A_15 {offsets = [128, 0], sizes = [64, 256], strides = [1, 1]} : vector<640x256xf32> to vector<64x256xf32>
    %slice3A_390 = vector.extract_strided_slice %get3A_4 {offsets = [0, 2], sizes = [64, 1], strides = [1, 1]} : vector<64x10xf32> to vector<64x1xf32>
    %slice3A_391 = vector.extract_strided_slice %get3A_7 {offsets = [0, 2], sizes = [64, 1], strides = [1, 1]} : vector<64x10xf32> to vector<64x1xf32>
    %slice3A_392 = vector.extract_strided_slice %get3A_4 {offsets = [0, 3], sizes = [64, 1], strides = [1, 1]} : vector<64x10xf32> to vector<64x1xf32>
    %sub3A_393 = arith.subf %slice3A_390, %slice3A_392 : vector<64x1xf32>
    %abs3A_394 = math.absf %sub3A_393 : vector<64x1xf32>
    %slice3A_395 = vector.extract_strided_slice %dot_general3A_20 {offsets = [192, 0], sizes = [64, 256], strides = [1, 1]} : vector<640x256xf32> to vector<64x256xf32>
    %add3A_396 = arith.addf %slice3A_389, %slice3A_395 : vector<64x256xf32>
    %dot_general3A_397 = arith.constant dense<0.000000e+00> : vector<64x256xf32>
    %dot_general3A_398 = tpu.matmul %abs3A_394, %get3A_23, %dot_general3A_397 {dimension_numbers = #tpu.dot_dimension_numbers<[1], [0], [0], [1], [0, 0, 1, 1], [], []>, transpose_lhs_hint = false} : vector<64x1xf32>, vector<1x256xf32>, vector<64x256xf32> -> vector<64x256xf32>
    %add3A_399 = arith.addf %add3A_396, %dot_general3A_398 : vector<64x256xf32>
    %logistic3A_400 = arith.negf %add3A_399 : vector<64x256xf32>
    %logistic3A_401 = math.exp %logistic3A_400 : vector<64x256xf32>
    %logistic3A_402 = arith.constant 1.000000e+00 : f32
    %logistic3A_403 = vector.broadcast %logistic3A_402 : f32 to vector<64x256xf32>
    %logistic3A_404 = arith.addf %logistic3A_403, %logistic3A_401 : vector<64x256xf32>
    %logistic3A_405 = arith.divf %logistic3A_403, %logistic3A_404 : vector<64x256xf32>
    %mul3A_406 = arith.mulf %add3A_399, %logistic3A_405 : vector<64x256xf32>
    %slice3A_407 = vector.extract_strided_slice %get3A_7 {offsets = [0, 3], sizes = [64, 1], strides = [1, 1]} : vector<64x10xf32> to vector<64x1xf32>
    %mul3A_408 = arith.mulf %slice3A_391, %slice3A_407 : vector<64x1xf32>
    %dot_general3A_409 = arith.constant dense<0.000000e+00> : vector<64x256xf32>
    %dot_general3A_410 = tpu.matmul %mul3A_408, %broadcast_in_dim3A_28, %dot_general3A_409 {dimension_numbers = #tpu.dot_dimension_numbers<[1], [0], [0], [1], [0, 0, 1, 1], [], []>, transpose_lhs_hint = false} : vector<64x1xf32>, vector<1x256xf32>, vector<64x256xf32> -> vector<64x256xf32>
    %mul3A_411 = arith.mulf %mul3A_406, %dot_general3A_410 : vector<64x256xf32>
    %add3A_412 = arith.addf %add3A_388, %mul3A_411 : vector<64x256xf32>
    %slice3A_413 = vector.extract_strided_slice %get3A_4 {offsets = [0, 4], sizes = [64, 1], strides = [1, 1]} : vector<64x10xf32> to vector<64x1xf32>
    %sub3A_414 = arith.subf %slice3A_390, %slice3A_413 : vector<64x1xf32>
    %abs3A_415 = math.absf %sub3A_414 : vector<64x1xf32>
    %slice3A_416 = vector.extract_strided_slice %dot_general3A_20 {offsets = [256, 0], sizes = [64, 256], strides = [1, 1]} : vector<640x256xf32> to vector<64x256xf32>
    %add3A_417 = arith.addf %slice3A_389, %slice3A_416 : vector<64x256xf32>
    %dot_general3A_418 = arith.constant dense<0.000000e+00> : vector<64x256xf32>
    %dot_general3A_419 = tpu.matmul %abs3A_415, %get3A_23, %dot_general3A_418 {dimension_numbers = #tpu.dot_dimension_numbers<[1], [0], [0], [1], [0, 0, 1, 1], [], []>, transpose_lhs_hint = false} : vector<64x1xf32>, vector<1x256xf32>, vector<64x256xf32> -> vector<64x256xf32>
    %add3A_420 = arith.addf %add3A_417, %dot_general3A_419 : vector<64x256xf32>
    %logistic3A_421 = arith.negf %add3A_420 : vector<64x256xf32>
    %logistic3A_422 = math.exp %logistic3A_421 : vector<64x256xf32>
    %logistic3A_423 = arith.constant 1.000000e+00 : f32
    %logistic3A_424 = vector.broadcast %logistic3A_423 : f32 to vector<64x256xf32>
    %logistic3A_425 = arith.addf %logistic3A_424, %logistic3A_422 : vector<64x256xf32>
    %logistic3A_426 = arith.divf %logistic3A_424, %logistic3A_425 : vector<64x256xf32>
    %mul3A_427 = arith.mulf %add3A_420, %logistic3A_426 : vector<64x256xf32>
    %slice3A_428 = vector.extract_strided_slice %get3A_7 {offsets = [0, 4], sizes = [64, 1], strides = [1, 1]} : vector<64x10xf32> to vector<64x1xf32>
    %mul3A_429 = arith.mulf %slice3A_391, %slice3A_428 : vector<64x1xf32>
    %dot_general3A_430 = arith.constant dense<0.000000e+00> : vector<64x256xf32>
    %dot_general3A_431 = tpu.matmul %mul3A_429, %broadcast_in_dim3A_28, %dot_general3A_430 {dimension_numbers = #tpu.dot_dimension_numbers<[1], [0], [0], [1], [0, 0, 1, 1], [], []>, transpose_lhs_hint = false} : vector<64x1xf32>, vector<1x256xf32>, vector<64x256xf32> -> vector<64x256xf32>
    %mul3A_432 = arith.mulf %mul3A_427, %dot_general3A_431 : vector<64x256xf32>
    %add3A_433 = arith.addf %add3A_412, %mul3A_432 : vector<64x256xf32>
    %slice3A_434 = vector.extract_strided_slice %get3A_4 {offsets = [0, 5], sizes = [64, 1], strides = [1, 1]} : vector<64x10xf32> to vector<64x1xf32>
    %sub3A_435 = arith.subf %slice3A_390, %slice3A_434 : vector<64x1xf32>
    %abs3A_436 = math.absf %sub3A_435 : vector<64x1xf32>
    %slice3A_437 = vector.extract_strided_slice %dot_general3A_20 {offsets = [320, 0], sizes = [64, 256], strides = [1, 1]} : vector<640x256xf32> to vector<64x256xf32>
    %add3A_438 = arith.addf %slice3A_389, %slice3A_437 : vector<64x256xf32>
    %dot_general3A_439 = arith.constant dense<0.000000e+00> : vector<64x256xf32>
    %dot_general3A_440 = tpu.matmul %abs3A_436, %get3A_23, %dot_general3A_439 {dimension_numbers = #tpu.dot_dimension_numbers<[1], [0], [0], [1], [0, 0, 1, 1], [], []>, transpose_lhs_hint = false} : vector<64x1xf32>, vector<1x256xf32>, vector<64x256xf32> -> vector<64x256xf32>
    %add3A_441 = arith.addf %add3A_438, %dot_general3A_440 : vector<64x256xf32>
    %logistic3A_442 = arith.negf %add3A_441 : vector<64x256xf32>
    %logistic3A_443 = math.exp %logistic3A_442 : vector<64x256xf32>
    %logistic3A_444 = arith.constant 1.000000e+00 : f32
    %logistic3A_445 = vector.broadcast %logistic3A_444 : f32 to vector<64x256xf32>
    %logistic3A_446 = arith.addf %logistic3A_445, %logistic3A_443 : vector<64x256xf32>
    %logistic3A_447 = arith.divf %logistic3A_445, %logistic3A_446 : vector<64x256xf32>
    %mul3A_448 = arith.mulf %add3A_441, %logistic3A_447 : vector<64x256xf32>
    %slice3A_449 = vector.extract_strided_slice %get3A_7 {offsets = [0, 5], sizes = [64, 1], strides = [1, 1]} : vector<64x10xf32> to vector<64x1xf32>
    %mul3A_450 = arith.mulf %slice3A_391, %slice3A_449 : vector<64x1xf32>
    %dot_general3A_451 = arith.constant dense<0.000000e+00> : vector<64x256xf32>
    %dot_general3A_452 = tpu.matmul %mul3A_450, %broadcast_in_dim3A_28, %dot_general3A_451 {dimension_numbers = #tpu.dot_dimension_numbers<[1], [0], [0], [1], [0, 0, 1, 1], [], []>, transpose_lhs_hint = false} : vector<64x1xf32>, vector<1x256xf32>, vector<64x256xf32> -> vector<64x256xf32>
    %mul3A_453 = arith.mulf %mul3A_448, %dot_general3A_452 : vector<64x256xf32>
    %add3A_454 = arith.addf %add3A_433, %mul3A_453 : vector<64x256xf32>
    %slice3A_455 = vector.extract_strided_slice %get3A_4 {offsets = [0, 6], sizes = [64, 1], strides = [1, 1]} : vector<64x10xf32> to vector<64x1xf32>
    %sub3A_456 = arith.subf %slice3A_390, %slice3A_455 : vector<64x1xf32>
    %abs3A_457 = math.absf %sub3A_456 : vector<64x1xf32>
    %slice3A_458 = vector.extract_strided_slice %dot_general3A_20 {offsets = [384, 0], sizes = [64, 256], strides = [1, 1]} : vector<640x256xf32> to vector<64x256xf32>
    %add3A_459 = arith.addf %slice3A_389, %slice3A_458 : vector<64x256xf32>
    %dot_general3A_460 = arith.constant dense<0.000000e+00> : vector<64x256xf32>
    %dot_general3A_461 = tpu.matmul %abs3A_457, %get3A_23, %dot_general3A_460 {dimension_numbers = #tpu.dot_dimension_numbers<[1], [0], [0], [1], [0, 0, 1, 1], [], []>, transpose_lhs_hint = false} : vector<64x1xf32>, vector<1x256xf32>, vector<64x256xf32> -> vector<64x256xf32>
    %add3A_462 = arith.addf %add3A_459, %dot_general3A_461 : vector<64x256xf32>
    %logistic3A_463 = arith.negf %add3A_462 : vector<64x256xf32>
    %logistic3A_464 = math.exp %logistic3A_463 : vector<64x256xf32>
    %logistic3A_465 = arith.constant 1.000000e+00 : f32
    %logistic3A_466 = vector.broadcast %logistic3A_465 : f32 to vector<64x256xf32>
    %logistic3A_467 = arith.addf %logistic3A_466, %logistic3A_464 : vector<64x256xf32>
    %logistic3A_468 = arith.divf %logistic3A_466, %logistic3A_467 : vector<64x256xf32>
    %mul3A_469 = arith.mulf %add3A_462, %logistic3A_468 : vector<64x256xf32>
    %slice3A_470 = vector.extract_strided_slice %get3A_7 {offsets = [0, 6], sizes = [64, 1], strides = [1, 1]} : vector<64x10xf32> to vector<64x1xf32>
    %mul3A_471 = arith.mulf %slice3A_391, %slice3A_470 : vector<64x1xf32>
    %dot_general3A_472 = arith.constant dense<0.000000e+00> : vector<64x256xf32>
    %dot_general3A_473 = tpu.matmul %mul3A_471, %broadcast_in_dim3A_28, %dot_general3A_472 {dimension_numbers = #tpu.dot_dimension_numbers<[1], [0], [0], [1], [0, 0, 1, 1], [], []>, transpose_lhs_hint = false} : vector<64x1xf32>, vector<1x256xf32>, vector<64x256xf32> -> vector<64x256xf32>
    %mul3A_474 = arith.mulf %mul3A_469, %dot_general3A_473 : vector<64x256xf32>
    %add3A_475 = arith.addf %add3A_454, %mul3A_474 : vector<64x256xf32>
    %slice3A_476 = vector.extract_strided_slice %get3A_4 {offsets = [0, 7], sizes = [64, 1], strides = [1, 1]} : vector<64x10xf32> to vector<64x1xf32>
    %sub3A_477 = arith.subf %slice3A_390, %slice3A_476 : vector<64x1xf32>
    %abs3A_478 = math.absf %sub3A_477 : vector<64x1xf32>
    %slice3A_479 = vector.extract_strided_slice %dot_general3A_20 {offsets = [448, 0], sizes = [64, 256], strides = [1, 1]} : vector<640x256xf32> to vector<64x256xf32>
    %add3A_480 = arith.addf %slice3A_389, %slice3A_479 : vector<64x256xf32>
    %dot_general3A_481 = arith.constant dense<0.000000e+00> : vector<64x256xf32>
    %dot_general3A_482 = tpu.matmul %abs3A_478, %get3A_23, %dot_general3A_481 {dimension_numbers = #tpu.dot_dimension_numbers<[1], [0], [0], [1], [0, 0, 1, 1], [], []>, transpose_lhs_hint = false} : vector<64x1xf32>, vector<1x256xf32>, vector<64x256xf32> -> vector<64x256xf32>
    %add3A_483 = arith.addf %add3A_480, %dot_general3A_482 : vector<64x256xf32>
    %logistic3A_484 = arith.negf %add3A_483 : vector<64x256xf32>
    %logistic3A_485 = math.exp %logistic3A_484 : vector<64x256xf32>
    %logistic3A_486 = arith.constant 1.000000e+00 : f32
    %logistic3A_487 = vector.broadcast %logistic3A_486 : f32 to vector<64x256xf32>
    %logistic3A_488 = arith.addf %logistic3A_487, %logistic3A_485 : vector<64x256xf32>
    %logistic3A_489 = arith.divf %logistic3A_487, %logistic3A_488 : vector<64x256xf32>
    %mul3A_490 = arith.mulf %add3A_483, %logistic3A_489 : vector<64x256xf32>
    %slice3A_491 = vector.extract_strided_slice %get3A_7 {offsets = [0, 7], sizes = [64, 1], strides = [1, 1]} : vector<64x10xf32> to vector<64x1xf32>
    %mul3A_492 = arith.mulf %slice3A_391, %slice3A_491 : vector<64x1xf32>
    %dot_general3A_493 = arith.constant dense<0.000000e+00> : vector<64x256xf32>
    %dot_general3A_494 = tpu.matmul %mul3A_492, %broadcast_in_dim3A_28, %dot_general3A_493 {dimension_numbers = #tpu.dot_dimension_numbers<[1], [0], [0], [1], [0, 0, 1, 1], [], []>, transpose_lhs_hint = false} : vector<64x1xf32>, vector<1x256xf32>, vector<64x256xf32> -> vector<64x256xf32>
    %mul3A_495 = arith.mulf %mul3A_490, %dot_general3A_494 : vector<64x256xf32>
    %add3A_496 = arith.addf %add3A_475, %mul3A_495 : vector<64x256xf32>
    %slice3A_497 = vector.extract_strided_slice %get3A_4 {offsets = [0, 8], sizes = [64, 1], strides = [1, 1]} : vector<64x10xf32> to vector<64x1xf32>
    %sub3A_498 = arith.subf %slice3A_390, %slice3A_497 : vector<64x1xf32>
    %abs3A_499 = math.absf %sub3A_498 : vector<64x1xf32>
    %slice3A_500 = vector.extract_strided_slice %dot_general3A_20 {offsets = [512, 0], sizes = [64, 256], strides = [1, 1]} : vector<640x256xf32> to vector<64x256xf32>
    %add3A_501 = arith.addf %slice3A_389, %slice3A_500 : vector<64x256xf32>
    %dot_general3A_502 = arith.constant dense<0.000000e+00> : vector<64x256xf32>
    %dot_general3A_503 = tpu.matmul %abs3A_499, %get3A_23, %dot_general3A_502 {dimension_numbers = #tpu.dot_dimension_numbers<[1], [0], [0], [1], [0, 0, 1, 1], [], []>, transpose_lhs_hint = false} : vector<64x1xf32>, vector<1x256xf32>, vector<64x256xf32> -> vector<64x256xf32>
    %add3A_504 = arith.addf %add3A_501, %dot_general3A_503 : vector<64x256xf32>
    %logistic3A_505 = arith.negf %add3A_504 : vector<64x256xf32>
    %logistic3A_506 = math.exp %logistic3A_505 : vector<64x256xf32>
    %logistic3A_507 = arith.constant 1.000000e+00 : f32
    %logistic3A_508 = vector.broadcast %logistic3A_507 : f32 to vector<64x256xf32>
    %logistic3A_509 = arith.addf %logistic3A_508, %logistic3A_506 : vector<64x256xf32>
    %logistic3A_510 = arith.divf %logistic3A_508, %logistic3A_509 : vector<64x256xf32>
    %mul3A_511 = arith.mulf %add3A_504, %logistic3A_510 : vector<64x256xf32>
    %slice3A_512 = vector.extract_strided_slice %get3A_7 {offsets = [0, 8], sizes = [64, 1], strides = [1, 1]} : vector<64x10xf32> to vector<64x1xf32>
    %mul3A_513 = arith.mulf %slice3A_391, %slice3A_512 : vector<64x1xf32>
    %dot_general3A_514 = arith.constant dense<0.000000e+00> : vector<64x256xf32>
    %dot_general3A_515 = tpu.matmul %mul3A_513, %broadcast_in_dim3A_28, %dot_general3A_514 {dimension_numbers = #tpu.dot_dimension_numbers<[1], [0], [0], [1], [0, 0, 1, 1], [], []>, transpose_lhs_hint = false} : vector<64x1xf32>, vector<1x256xf32>, vector<64x256xf32> -> vector<64x256xf32>
    %mul3A_516 = arith.mulf %mul3A_511, %dot_general3A_515 : vector<64x256xf32>
    %add3A_517 = arith.addf %add3A_496, %mul3A_516 : vector<64x256xf32>
    %slice3A_518 = vector.extract_strided_slice %get3A_4 {offsets = [0, 9], sizes = [64, 1], strides = [1, 1]} : vector<64x10xf32> to vector<64x1xf32>
    %sub3A_519 = arith.subf %slice3A_390, %slice3A_518 : vector<64x1xf32>
    %abs3A_520 = math.absf %sub3A_519 : vector<64x1xf32>
    %slice3A_521 = vector.extract_strided_slice %dot_general3A_20 {offsets = [576, 0], sizes = [64, 256], strides = [1, 1]} : vector<640x256xf32> to vector<64x256xf32>
    %add3A_522 = arith.addf %slice3A_389, %slice3A_521 : vector<64x256xf32>
    %dot_general3A_523 = arith.constant dense<0.000000e+00> : vector<64x256xf32>
    %dot_general3A_524 = tpu.matmul %abs3A_520, %get3A_23, %dot_general3A_523 {dimension_numbers = #tpu.dot_dimension_numbers<[1], [0], [0], [1], [0, 0, 1, 1], [], []>, transpose_lhs_hint = false} : vector<64x1xf32>, vector<1x256xf32>, vector<64x256xf32> -> vector<64x256xf32>
    %add3A_525 = arith.addf %add3A_522, %dot_general3A_524 : vector<64x256xf32>
    %logistic3A_526 = arith.negf %add3A_525 : vector<64x256xf32>
    %logistic3A_527 = math.exp %logistic3A_526 : vector<64x256xf32>
    %logistic3A_528 = arith.constant 1.000000e+00 : f32
    %logistic3A_529 = vector.broadcast %logistic3A_528 : f32 to vector<64x256xf32>
    %logistic3A_530 = arith.addf %logistic3A_529, %logistic3A_527 : vector<64x256xf32>
    %logistic3A_531 = arith.divf %logistic3A_529, %logistic3A_530 : vector<64x256xf32>
    %mul3A_532 = arith.mulf %add3A_525, %logistic3A_531 : vector<64x256xf32>
    %slice3A_533 = vector.extract_strided_slice %get3A_7 {offsets = [0, 9], sizes = [64, 1], strides = [1, 1]} : vector<64x10xf32> to vector<64x1xf32>
    %mul3A_534 = arith.mulf %slice3A_391, %slice3A_533 : vector<64x1xf32>
    %dot_general3A_535 = arith.constant dense<0.000000e+00> : vector<64x256xf32>
    %dot_general3A_536 = tpu.matmul %mul3A_534, %broadcast_in_dim3A_28, %dot_general3A_535 {dimension_numbers = #tpu.dot_dimension_numbers<[1], [0], [0], [1], [0, 0, 1, 1], [], []>, transpose_lhs_hint = false} : vector<64x1xf32>, vector<1x256xf32>, vector<64x256xf32> -> vector<64x256xf32>
    %mul3A_537 = arith.mulf %mul3A_532, %dot_general3A_536 : vector<64x256xf32>
    %add3A_538 = arith.addf %add3A_517, %mul3A_537 : vector<64x256xf32>
    %slice3A_539 = vector.extract_strided_slice %add3A_15 {offsets = [192, 0], sizes = [64, 256], strides = [1, 1]} : vector<640x256xf32> to vector<64x256xf32>
    %slice3A_540 = vector.extract_strided_slice %get3A_4 {offsets = [0, 3], sizes = [64, 1], strides = [1, 1]} : vector<64x10xf32> to vector<64x1xf32>
    %slice3A_541 = vector.extract_strided_slice %get3A_7 {offsets = [0, 3], sizes = [64, 1], strides = [1, 1]} : vector<64x10xf32> to vector<64x1xf32>
    %slice3A_542 = vector.extract_strided_slice %get3A_4 {offsets = [0, 4], sizes = [64, 1], strides = [1, 1]} : vector<64x10xf32> to vector<64x1xf32>
    %sub3A_543 = arith.subf %slice3A_540, %slice3A_542 : vector<64x1xf32>
    %abs3A_544 = math.absf %sub3A_543 : vector<64x1xf32>
    %slice3A_545 = vector.extract_strided_slice %dot_general3A_20 {offsets = [256, 0], sizes = [64, 256], strides = [1, 1]} : vector<640x256xf32> to vector<64x256xf32>
    %add3A_546 = arith.addf %slice3A_539, %slice3A_545 : vector<64x256xf32>
    %dot_general3A_547 = arith.constant dense<0.000000e+00> : vector<64x256xf32>
    %dot_general3A_548 = tpu.matmul %abs3A_544, %get3A_23, %dot_general3A_547 {dimension_numbers = #tpu.dot_dimension_numbers<[1], [0], [0], [1], [0, 0, 1, 1], [], []>, transpose_lhs_hint = false} : vector<64x1xf32>, vector<1x256xf32>, vector<64x256xf32> -> vector<64x256xf32>
    %add3A_549 = arith.addf %add3A_546, %dot_general3A_548 : vector<64x256xf32>
    %logistic3A_550 = arith.negf %add3A_549 : vector<64x256xf32>
    %logistic3A_551 = math.exp %logistic3A_550 : vector<64x256xf32>
    %logistic3A_552 = arith.constant 1.000000e+00 : f32
    %logistic3A_553 = vector.broadcast %logistic3A_552 : f32 to vector<64x256xf32>
    %logistic3A_554 = arith.addf %logistic3A_553, %logistic3A_551 : vector<64x256xf32>
    %logistic3A_555 = arith.divf %logistic3A_553, %logistic3A_554 : vector<64x256xf32>
    %mul3A_556 = arith.mulf %add3A_549, %logistic3A_555 : vector<64x256xf32>
    %slice3A_557 = vector.extract_strided_slice %get3A_7 {offsets = [0, 4], sizes = [64, 1], strides = [1, 1]} : vector<64x10xf32> to vector<64x1xf32>
    %mul3A_558 = arith.mulf %slice3A_541, %slice3A_557 : vector<64x1xf32>
    %dot_general3A_559 = arith.constant dense<0.000000e+00> : vector<64x256xf32>
    %dot_general3A_560 = tpu.matmul %mul3A_558, %broadcast_in_dim3A_28, %dot_general3A_559 {dimension_numbers = #tpu.dot_dimension_numbers<[1], [0], [0], [1], [0, 0, 1, 1], [], []>, transpose_lhs_hint = false} : vector<64x1xf32>, vector<1x256xf32>, vector<64x256xf32> -> vector<64x256xf32>
    %mul3A_561 = arith.mulf %mul3A_556, %dot_general3A_560 : vector<64x256xf32>
    %add3A_562 = arith.addf %add3A_538, %mul3A_561 : vector<64x256xf32>
    %slice3A_563 = vector.extract_strided_slice %get3A_4 {offsets = [0, 5], sizes = [64, 1], strides = [1, 1]} : vector<64x10xf32> to vector<64x1xf32>
    %sub3A_564 = arith.subf %slice3A_540, %slice3A_563 : vector<64x1xf32>
    %abs3A_565 = math.absf %sub3A_564 : vector<64x1xf32>
    %slice3A_566 = vector.extract_strided_slice %dot_general3A_20 {offsets = [320, 0], sizes = [64, 256], strides = [1, 1]} : vector<640x256xf32> to vector<64x256xf32>
    %add3A_567 = arith.addf %slice3A_539, %slice3A_566 : vector<64x256xf32>
    %dot_general3A_568 = arith.constant dense<0.000000e+00> : vector<64x256xf32>
    %dot_general3A_569 = tpu.matmul %abs3A_565, %get3A_23, %dot_general3A_568 {dimension_numbers = #tpu.dot_dimension_numbers<[1], [0], [0], [1], [0, 0, 1, 1], [], []>, transpose_lhs_hint = false} : vector<64x1xf32>, vector<1x256xf32>, vector<64x256xf32> -> vector<64x256xf32>
    %add3A_570 = arith.addf %add3A_567, %dot_general3A_569 : vector<64x256xf32>
    %logistic3A_571 = arith.negf %add3A_570 : vector<64x256xf32>
    %logistic3A_572 = math.exp %logistic3A_571 : vector<64x256xf32>
    %logistic3A_573 = arith.constant 1.000000e+00 : f32
    %logistic3A_574 = vector.broadcast %logistic3A_573 : f32 to vector<64x256xf32>
    %logistic3A_575 = arith.addf %logistic3A_574, %logistic3A_572 : vector<64x256xf32>
    %logistic3A_576 = arith.divf %logistic3A_574, %logistic3A_575 : vector<64x256xf32>
    %mul3A_577 = arith.mulf %add3A_570, %logistic3A_576 : vector<64x256xf32>
    %slice3A_578 = vector.extract_strided_slice %get3A_7 {offsets = [0, 5], sizes = [64, 1], strides = [1, 1]} : vector<64x10xf32> to vector<64x1xf32>
    %mul3A_579 = arith.mulf %slice3A_541, %slice3A_578 : vector<64x1xf32>
    %dot_general3A_580 = arith.constant dense<0.000000e+00> : vector<64x256xf32>
    %dot_general3A_581 = tpu.matmul %mul3A_579, %broadcast_in_dim3A_28, %dot_general3A_580 {dimension_numbers = #tpu.dot_dimension_numbers<[1], [0], [0], [1], [0, 0, 1, 1], [], []>, transpose_lhs_hint = false} : vector<64x1xf32>, vector<1x256xf32>, vector<64x256xf32> -> vector<64x256xf32>
    %mul3A_582 = arith.mulf %mul3A_577, %dot_general3A_581 : vector<64x256xf32>
    %add3A_583 = arith.addf %add3A_562, %mul3A_582 : vector<64x256xf32>
    %slice3A_584 = vector.extract_strided_slice %get3A_4 {offsets = [0, 6], sizes = [64, 1], strides = [1, 1]} : vector<64x10xf32> to vector<64x1xf32>
    %sub3A_585 = arith.subf %slice3A_540, %slice3A_584 : vector<64x1xf32>
    %abs3A_586 = math.absf %sub3A_585 : vector<64x1xf32>
    %slice3A_587 = vector.extract_strided_slice %dot_general3A_20 {offsets = [384, 0], sizes = [64, 256], strides = [1, 1]} : vector<640x256xf32> to vector<64x256xf32>
    %add3A_588 = arith.addf %slice3A_539, %slice3A_587 : vector<64x256xf32>
    %dot_general3A_589 = arith.constant dense<0.000000e+00> : vector<64x256xf32>
    %dot_general3A_590 = tpu.matmul %abs3A_586, %get3A_23, %dot_general3A_589 {dimension_numbers = #tpu.dot_dimension_numbers<[1], [0], [0], [1], [0, 0, 1, 1], [], []>, transpose_lhs_hint = false} : vector<64x1xf32>, vector<1x256xf32>, vector<64x256xf32> -> vector<64x256xf32>
    %add3A_591 = arith.addf %add3A_588, %dot_general3A_590 : vector<64x256xf32>
    %logistic3A_592 = arith.negf %add3A_591 : vector<64x256xf32>
    %logistic3A_593 = math.exp %logistic3A_592 : vector<64x256xf32>
    %logistic3A_594 = arith.constant 1.000000e+00 : f32
    %logistic3A_595 = vector.broadcast %logistic3A_594 : f32 to vector<64x256xf32>
    %logistic3A_596 = arith.addf %logistic3A_595, %logistic3A_593 : vector<64x256xf32>
    %logistic3A_597 = arith.divf %logistic3A_595, %logistic3A_596 : vector<64x256xf32>
    %mul3A_598 = arith.mulf %add3A_591, %logistic3A_597 : vector<64x256xf32>
    %slice3A_599 = vector.extract_strided_slice %get3A_7 {offsets = [0, 6], sizes = [64, 1], strides = [1, 1]} : vector<64x10xf32> to vector<64x1xf32>
    %mul3A_600 = arith.mulf %slice3A_541, %slice3A_599 : vector<64x1xf32>
    %dot_general3A_601 = arith.constant dense<0.000000e+00> : vector<64x256xf32>
    %dot_general3A_602 = tpu.matmul %mul3A_600, %broadcast_in_dim3A_28, %dot_general3A_601 {dimension_numbers = #tpu.dot_dimension_numbers<[1], [0], [0], [1], [0, 0, 1, 1], [], []>, transpose_lhs_hint = false} : vector<64x1xf32>, vector<1x256xf32>, vector<64x256xf32> -> vector<64x256xf32>
    %mul3A_603 = arith.mulf %mul3A_598, %dot_general3A_602 : vector<64x256xf32>
    %add3A_604 = arith.addf %add3A_583, %mul3A_603 : vector<64x256xf32>
    %slice3A_605 = vector.extract_strided_slice %get3A_4 {offsets = [0, 7], sizes = [64, 1], strides = [1, 1]} : vector<64x10xf32> to vector<64x1xf32>
    %sub3A_606 = arith.subf %slice3A_540, %slice3A_605 : vector<64x1xf32>
    %abs3A_607 = math.absf %sub3A_606 : vector<64x1xf32>
    %slice3A_608 = vector.extract_strided_slice %dot_general3A_20 {offsets = [448, 0], sizes = [64, 256], strides = [1, 1]} : vector<640x256xf32> to vector<64x256xf32>
    %add3A_609 = arith.addf %slice3A_539, %slice3A_608 : vector<64x256xf32>
    %dot_general3A_610 = arith.constant dense<0.000000e+00> : vector<64x256xf32>
    %dot_general3A_611 = tpu.matmul %abs3A_607, %get3A_23, %dot_general3A_610 {dimension_numbers = #tpu.dot_dimension_numbers<[1], [0], [0], [1], [0, 0, 1, 1], [], []>, transpose_lhs_hint = false} : vector<64x1xf32>, vector<1x256xf32>, vector<64x256xf32> -> vector<64x256xf32>
    %add3A_612 = arith.addf %add3A_609, %dot_general3A_611 : vector<64x256xf32>
    %logistic3A_613 = arith.negf %add3A_612 : vector<64x256xf32>
    %logistic3A_614 = math.exp %logistic3A_613 : vector<64x256xf32>
    %logistic3A_615 = arith.constant 1.000000e+00 : f32
    %logistic3A_616 = vector.broadcast %logistic3A_615 : f32 to vector<64x256xf32>
    %logistic3A_617 = arith.addf %logistic3A_616, %logistic3A_614 : vector<64x256xf32>
    %logistic3A_618 = arith.divf %logistic3A_616, %logistic3A_617 : vector<64x256xf32>
    %mul3A_619 = arith.mulf %add3A_612, %logistic3A_618 : vector<64x256xf32>
    %slice3A_620 = vector.extract_strided_slice %get3A_7 {offsets = [0, 7], sizes = [64, 1], strides = [1, 1]} : vector<64x10xf32> to vector<64x1xf32>
    %mul3A_621 = arith.mulf %slice3A_541, %slice3A_620 : vector<64x1xf32>
    %dot_general3A_622 = arith.constant dense<0.000000e+00> : vector<64x256xf32>
    %dot_general3A_623 = tpu.matmul %mul3A_621, %broadcast_in_dim3A_28, %dot_general3A_622 {dimension_numbers = #tpu.dot_dimension_numbers<[1], [0], [0], [1], [0, 0, 1, 1], [], []>, transpose_lhs_hint = false} : vector<64x1xf32>, vector<1x256xf32>, vector<64x256xf32> -> vector<64x256xf32>
    %mul3A_624 = arith.mulf %mul3A_619, %dot_general3A_623 : vector<64x256xf32>
    %add3A_625 = arith.addf %add3A_604, %mul3A_624 : vector<64x256xf32>
    %slice3A_626 = vector.extract_strided_slice %get3A_4 {offsets = [0, 8], sizes = [64, 1], strides = [1, 1]} : vector<64x10xf32> to vector<64x1xf32>
    %sub3A_627 = arith.subf %slice3A_540, %slice3A_626 : vector<64x1xf32>
    %abs3A_628 = math.absf %sub3A_627 : vector<64x1xf32>
    %slice3A_629 = vector.extract_strided_slice %dot_general3A_20 {offsets = [512, 0], sizes = [64, 256], strides = [1, 1]} : vector<640x256xf32> to vector<64x256xf32>
    %add3A_630 = arith.addf %slice3A_539, %slice3A_629 : vector<64x256xf32>
    %dot_general3A_631 = arith.constant dense<0.000000e+00> : vector<64x256xf32>
    %dot_general3A_632 = tpu.matmul %abs3A_628, %get3A_23, %dot_general3A_631 {dimension_numbers = #tpu.dot_dimension_numbers<[1], [0], [0], [1], [0, 0, 1, 1], [], []>, transpose_lhs_hint = false} : vector<64x1xf32>, vector<1x256xf32>, vector<64x256xf32> -> vector<64x256xf32>
    %add3A_633 = arith.addf %add3A_630, %dot_general3A_632 : vector<64x256xf32>
    %logistic3A_634 = arith.negf %add3A_633 : vector<64x256xf32>
    %logistic3A_635 = math.exp %logistic3A_634 : vector<64x256xf32>
    %logistic3A_636 = arith.constant 1.000000e+00 : f32
    %logistic3A_637 = vector.broadcast %logistic3A_636 : f32 to vector<64x256xf32>
    %logistic3A_638 = arith.addf %logistic3A_637, %logistic3A_635 : vector<64x256xf32>
    %logistic3A_639 = arith.divf %logistic3A_637, %logistic3A_638 : vector<64x256xf32>
    %mul3A_640 = arith.mulf %add3A_633, %logistic3A_639 : vector<64x256xf32>
    %slice3A_641 = vector.extract_strided_slice %get3A_7 {offsets = [0, 8], sizes = [64, 1], strides = [1, 1]} : vector<64x10xf32> to vector<64x1xf32>
    %mul3A_642 = arith.mulf %slice3A_541, %slice3A_641 : vector<64x1xf32>
    %dot_general3A_643 = arith.constant dense<0.000000e+00> : vector<64x256xf32>
    %dot_general3A_644 = tpu.matmul %mul3A_642, %broadcast_in_dim3A_28, %dot_general3A_643 {dimension_numbers = #tpu.dot_dimension_numbers<[1], [0], [0], [1], [0, 0, 1, 1], [], []>, transpose_lhs_hint = false} : vector<64x1xf32>, vector<1x256xf32>, vector<64x256xf32> -> vector<64x256xf32>
    %mul3A_645 = arith.mulf %mul3A_640, %dot_general3A_644 : vector<64x256xf32>
    %add3A_646 = arith.addf %add3A_625, %mul3A_645 : vector<64x256xf32>
    %slice3A_647 = vector.extract_strided_slice %get3A_4 {offsets = [0, 9], sizes = [64, 1], strides = [1, 1]} : vector<64x10xf32> to vector<64x1xf32>
    %sub3A_648 = arith.subf %slice3A_540, %slice3A_647 : vector<64x1xf32>
    %abs3A_649 = math.absf %sub3A_648 : vector<64x1xf32>
    %slice3A_650 = vector.extract_strided_slice %dot_general3A_20 {offsets = [576, 0], sizes = [64, 256], strides = [1, 1]} : vector<640x256xf32> to vector<64x256xf32>
    %add3A_651 = arith.addf %slice3A_539, %slice3A_650 : vector<64x256xf32>
    %dot_general3A_652 = arith.constant dense<0.000000e+00> : vector<64x256xf32>
    %dot_general3A_653 = tpu.matmul %abs3A_649, %get3A_23, %dot_general3A_652 {dimension_numbers = #tpu.dot_dimension_numbers<[1], [0], [0], [1], [0, 0, 1, 1], [], []>, transpose_lhs_hint = false} : vector<64x1xf32>, vector<1x256xf32>, vector<64x256xf32> -> vector<64x256xf32>
    %add3A_654 = arith.addf %add3A_651, %dot_general3A_653 : vector<64x256xf32>
    %logistic3A_655 = arith.negf %add3A_654 : vector<64x256xf32>
    %logistic3A_656 = math.exp %logistic3A_655 : vector<64x256xf32>
    %logistic3A_657 = arith.constant 1.000000e+00 : f32
    %logistic3A_658 = vector.broadcast %logistic3A_657 : f32 to vector<64x256xf32>
    %logistic3A_659 = arith.addf %logistic3A_658, %logistic3A_656 : vector<64x256xf32>
    %logistic3A_660 = arith.divf %logistic3A_658, %logistic3A_659 : vector<64x256xf32>
    %mul3A_661 = arith.mulf %add3A_654, %logistic3A_660 : vector<64x256xf32>
    %slice3A_662 = vector.extract_strided_slice %get3A_7 {offsets = [0, 9], sizes = [64, 1], strides = [1, 1]} : vector<64x10xf32> to vector<64x1xf32>
    %mul3A_663 = arith.mulf %slice3A_541, %slice3A_662 : vector<64x1xf32>
    %dot_general3A_664 = arith.constant dense<0.000000e+00> : vector<64x256xf32>
    %dot_general3A_665 = tpu.matmul %mul3A_663, %broadcast_in_dim3A_28, %dot_general3A_664 {dimension_numbers = #tpu.dot_dimension_numbers<[1], [0], [0], [1], [0, 0, 1, 1], [], []>, transpose_lhs_hint = false} : vector<64x1xf32>, vector<1x256xf32>, vector<64x256xf32> -> vector<64x256xf32>
    %mul3A_666 = arith.mulf %mul3A_661, %dot_general3A_665 : vector<64x256xf32>
    %add3A_667 = arith.addf %add3A_646, %mul3A_666 : vector<64x256xf32>
    %slice3A_668 = vector.extract_strided_slice %add3A_15 {offsets = [256, 0], sizes = [64, 256], strides = [1, 1]} : vector<640x256xf32> to vector<64x256xf32>
    %slice3A_669 = vector.extract_strided_slice %get3A_4 {offsets = [0, 4], sizes = [64, 1], strides = [1, 1]} : vector<64x10xf32> to vector<64x1xf32>
    %slice3A_670 = vector.extract_strided_slice %get3A_7 {offsets = [0, 4], sizes = [64, 1], strides = [1, 1]} : vector<64x10xf32> to vector<64x1xf32>
    %slice3A_671 = vector.extract_strided_slice %get3A_4 {offsets = [0, 5], sizes = [64, 1], strides = [1, 1]} : vector<64x10xf32> to vector<64x1xf32>
    %sub3A_672 = arith.subf %slice3A_669, %slice3A_671 : vector<64x1xf32>
    %abs3A_673 = math.absf %sub3A_672 : vector<64x1xf32>
    %slice3A_674 = vector.extract_strided_slice %dot_general3A_20 {offsets = [320, 0], sizes = [64, 256], strides = [1, 1]} : vector<640x256xf32> to vector<64x256xf32>
    %add3A_675 = arith.addf %slice3A_668, %slice3A_674 : vector<64x256xf32>
    %dot_general3A_676 = arith.constant dense<0.000000e+00> : vector<64x256xf32>
    %dot_general3A_677 = tpu.matmul %abs3A_673, %get3A_23, %dot_general3A_676 {dimension_numbers = #tpu.dot_dimension_numbers<[1], [0], [0], [1], [0, 0, 1, 1], [], []>, transpose_lhs_hint = false} : vector<64x1xf32>, vector<1x256xf32>, vector<64x256xf32> -> vector<64x256xf32>
    %add3A_678 = arith.addf %add3A_675, %dot_general3A_677 : vector<64x256xf32>
    %logistic3A_679 = arith.negf %add3A_678 : vector<64x256xf32>
    %logistic3A_680 = math.exp %logistic3A_679 : vector<64x256xf32>
    %logistic3A_681 = arith.constant 1.000000e+00 : f32
    %logistic3A_682 = vector.broadcast %logistic3A_681 : f32 to vector<64x256xf32>
    %logistic3A_683 = arith.addf %logistic3A_682, %logistic3A_680 : vector<64x256xf32>
    %logistic3A_684 = arith.divf %logistic3A_682, %logistic3A_683 : vector<64x256xf32>
    %mul3A_685 = arith.mulf %add3A_678, %logistic3A_684 : vector<64x256xf32>
    %slice3A_686 = vector.extract_strided_slice %get3A_7 {offsets = [0, 5], sizes = [64, 1], strides = [1, 1]} : vector<64x10xf32> to vector<64x1xf32>
    %mul3A_687 = arith.mulf %slice3A_670, %slice3A_686 : vector<64x1xf32>
    %dot_general3A_688 = arith.constant dense<0.000000e+00> : vector<64x256xf32>
    %dot_general3A_689 = tpu.matmul %mul3A_687, %broadcast_in_dim3A_28, %dot_general3A_688 {dimension_numbers = #tpu.dot_dimension_numbers<[1], [0], [0], [1], [0, 0, 1, 1], [], []>, transpose_lhs_hint = false} : vector<64x1xf32>, vector<1x256xf32>, vector<64x256xf32> -> vector<64x256xf32>
    %mul3A_690 = arith.mulf %mul3A_685, %dot_general3A_689 : vector<64x256xf32>
    %add3A_691 = arith.addf %add3A_667, %mul3A_690 : vector<64x256xf32>
    %slice3A_692 = vector.extract_strided_slice %get3A_4 {offsets = [0, 6], sizes = [64, 1], strides = [1, 1]} : vector<64x10xf32> to vector<64x1xf32>
    %sub3A_693 = arith.subf %slice3A_669, %slice3A_692 : vector<64x1xf32>
    %abs3A_694 = math.absf %sub3A_693 : vector<64x1xf32>
    %slice3A_695 = vector.extract_strided_slice %dot_general3A_20 {offsets = [384, 0], sizes = [64, 256], strides = [1, 1]} : vector<640x256xf32> to vector<64x256xf32>
    %add3A_696 = arith.addf %slice3A_668, %slice3A_695 : vector<64x256xf32>
    %dot_general3A_697 = arith.constant dense<0.000000e+00> : vector<64x256xf32>
    %dot_general3A_698 = tpu.matmul %abs3A_694, %get3A_23, %dot_general3A_697 {dimension_numbers = #tpu.dot_dimension_numbers<[1], [0], [0], [1], [0, 0, 1, 1], [], []>, transpose_lhs_hint = false} : vector<64x1xf32>, vector<1x256xf32>, vector<64x256xf32> -> vector<64x256xf32>
    %add3A_699 = arith.addf %add3A_696, %dot_general3A_698 : vector<64x256xf32>
    %logistic3A_700 = arith.negf %add3A_699 : vector<64x256xf32>
    %logistic3A_701 = math.exp %logistic3A_700 : vector<64x256xf32>
    %logistic3A_702 = arith.constant 1.000000e+00 : f32
    %logistic3A_703 = vector.broadcast %logistic3A_702 : f32 to vector<64x256xf32>
    %logistic3A_704 = arith.addf %logistic3A_703, %logistic3A_701 : vector<64x256xf32>
    %logistic3A_705 = arith.divf %logistic3A_703, %logistic3A_704 : vector<64x256xf32>
    %mul3A_706 = arith.mulf %add3A_699, %logistic3A_705 : vector<64x256xf32>
    %slice3A_707 = vector.extract_strided_slice %get3A_7 {offsets = [0, 6], sizes = [64, 1], strides = [1, 1]} : vector<64x10xf32> to vector<64x1xf32>
    %mul3A_708 = arith.mulf %slice3A_670, %slice3A_707 : vector<64x1xf32>
    %dot_general3A_709 = arith.constant dense<0.000000e+00> : vector<64x256xf32>
    %dot_general3A_710 = tpu.matmul %mul3A_708, %broadcast_in_dim3A_28, %dot_general3A_709 {dimension_numbers = #tpu.dot_dimension_numbers<[1], [0], [0], [1], [0, 0, 1, 1], [], []>, transpose_lhs_hint = false} : vector<64x1xf32>, vector<1x256xf32>, vector<64x256xf32> -> vector<64x256xf32>
    %mul3A_711 = arith.mulf %mul3A_706, %dot_general3A_710 : vector<64x256xf32>
    %add3A_712 = arith.addf %add3A_691, %mul3A_711 : vector<64x256xf32>
    %slice3A_713 = vector.extract_strided_slice %get3A_4 {offsets = [0, 7], sizes = [64, 1], strides = [1, 1]} : vector<64x10xf32> to vector<64x1xf32>
    %sub3A_714 = arith.subf %slice3A_669, %slice3A_713 : vector<64x1xf32>
    %abs3A_715 = math.absf %sub3A_714 : vector<64x1xf32>
    %slice3A_716 = vector.extract_strided_slice %dot_general3A_20 {offsets = [448, 0], sizes = [64, 256], strides = [1, 1]} : vector<640x256xf32> to vector<64x256xf32>
    %add3A_717 = arith.addf %slice3A_668, %slice3A_716 : vector<64x256xf32>
    %dot_general3A_718 = arith.constant dense<0.000000e+00> : vector<64x256xf32>
    %dot_general3A_719 = tpu.matmul %abs3A_715, %get3A_23, %dot_general3A_718 {dimension_numbers = #tpu.dot_dimension_numbers<[1], [0], [0], [1], [0, 0, 1, 1], [], []>, transpose_lhs_hint = false} : vector<64x1xf32>, vector<1x256xf32>, vector<64x256xf32> -> vector<64x256xf32>
    %add3A_720 = arith.addf %add3A_717, %dot_general3A_719 : vector<64x256xf32>
    %logistic3A_721 = arith.negf %add3A_720 : vector<64x256xf32>
    %logistic3A_722 = math.exp %logistic3A_721 : vector<64x256xf32>
    %logistic3A_723 = arith.constant 1.000000e+00 : f32
    %logistic3A_724 = vector.broadcast %logistic3A_723 : f32 to vector<64x256xf32>
    %logistic3A_725 = arith.addf %logistic3A_724, %logistic3A_722 : vector<64x256xf32>
    %logistic3A_726 = arith.divf %logistic3A_724, %logistic3A_725 : vector<64x256xf32>
    %mul3A_727 = arith.mulf %add3A_720, %logistic3A_726 : vector<64x256xf32>
    %slice3A_728 = vector.extract_strided_slice %get3A_7 {offsets = [0, 7], sizes = [64, 1], strides = [1, 1]} : vector<64x10xf32> to vector<64x1xf32>
    %mul3A_729 = arith.mulf %slice3A_670, %slice3A_728 : vector<64x1xf32>
    %dot_general3A_730 = arith.constant dense<0.000000e+00> : vector<64x256xf32>
    %dot_general3A_731 = tpu.matmul %mul3A_729, %broadcast_in_dim3A_28, %dot_general3A_730 {dimension_numbers = #tpu.dot_dimension_numbers<[1], [0], [0], [1], [0, 0, 1, 1], [], []>, transpose_lhs_hint = false} : vector<64x1xf32>, vector<1x256xf32>, vector<64x256xf32> -> vector<64x256xf32>
    %mul3A_732 = arith.mulf %mul3A_727, %dot_general3A_731 : vector<64x256xf32>
    %add3A_733 = arith.addf %add3A_712, %mul3A_732 : vector<64x256xf32>
    %slice3A_734 = vector.extract_strided_slice %get3A_4 {offsets = [0, 8], sizes = [64, 1], strides = [1, 1]} : vector<64x10xf32> to vector<64x1xf32>
    %sub3A_735 = arith.subf %slice3A_669, %slice3A_734 : vector<64x1xf32>
    %abs3A_736 = math.absf %sub3A_735 : vector<64x1xf32>
    %slice3A_737 = vector.extract_strided_slice %dot_general3A_20 {offsets = [512, 0], sizes = [64, 256], strides = [1, 1]} : vector<640x256xf32> to vector<64x256xf32>
    %add3A_738 = arith.addf %slice3A_668, %slice3A_737 : vector<64x256xf32>
    %dot_general3A_739 = arith.constant dense<0.000000e+00> : vector<64x256xf32>
    %dot_general3A_740 = tpu.matmul %abs3A_736, %get3A_23, %dot_general3A_739 {dimension_numbers = #tpu.dot_dimension_numbers<[1], [0], [0], [1], [0, 0, 1, 1], [], []>, transpose_lhs_hint = false} : vector<64x1xf32>, vector<1x256xf32>, vector<64x256xf32> -> vector<64x256xf32>
    %add3A_741 = arith.addf %add3A_738, %dot_general3A_740 : vector<64x256xf32>
    %logistic3A_742 = arith.negf %add3A_741 : vector<64x256xf32>
    %logistic3A_743 = math.exp %logistic3A_742 : vector<64x256xf32>
    %logistic3A_744 = arith.constant 1.000000e+00 : f32
    %logistic3A_745 = vector.broadcast %logistic3A_744 : f32 to vector<64x256xf32>
    %logistic3A_746 = arith.addf %logistic3A_745, %logistic3A_743 : vector<64x256xf32>
    %logistic3A_747 = arith.divf %logistic3A_745, %logistic3A_746 : vector<64x256xf32>
    %mul3A_748 = arith.mulf %add3A_741, %logistic3A_747 : vector<64x256xf32>
    %slice3A_749 = vector.extract_strided_slice %get3A_7 {offsets = [0, 8], sizes = [64, 1], strides = [1, 1]} : vector<64x10xf32> to vector<64x1xf32>
    %mul3A_750 = arith.mulf %slice3A_670, %slice3A_749 : vector<64x1xf32>
    %dot_general3A_751 = arith.constant dense<0.000000e+00> : vector<64x256xf32>
    %dot_general3A_752 = tpu.matmul %mul3A_750, %broadcast_in_dim3A_28, %dot_general3A_751 {dimension_numbers = #tpu.dot_dimension_numbers<[1], [0], [0], [1], [0, 0, 1, 1], [], []>, transpose_lhs_hint = false} : vector<64x1xf32>, vector<1x256xf32>, vector<64x256xf32> -> vector<64x256xf32>
    %mul3A_753 = arith.mulf %mul3A_748, %dot_general3A_752 : vector<64x256xf32>
    %add3A_754 = arith.addf %add3A_733, %mul3A_753 : vector<64x256xf32>
    %slice3A_755 = vector.extract_strided_slice %get3A_4 {offsets = [0, 9], sizes = [64, 1], strides = [1, 1]} : vector<64x10xf32> to vector<64x1xf32>
    %sub3A_756 = arith.subf %slice3A_669, %slice3A_755 : vector<64x1xf32>
    %abs3A_757 = math.absf %sub3A_756 : vector<64x1xf32>
    %slice3A_758 = vector.extract_strided_slice %dot_general3A_20 {offsets = [576, 0], sizes = [64, 256], strides = [1, 1]} : vector<640x256xf32> to vector<64x256xf32>
    %add3A_759 = arith.addf %slice3A_668, %slice3A_758 : vector<64x256xf32>
    %dot_general3A_760 = arith.constant dense<0.000000e+00> : vector<64x256xf32>
    %dot_general3A_761 = tpu.matmul %abs3A_757, %get3A_23, %dot_general3A_760 {dimension_numbers = #tpu.dot_dimension_numbers<[1], [0], [0], [1], [0, 0, 1, 1], [], []>, transpose_lhs_hint = false} : vector<64x1xf32>, vector<1x256xf32>, vector<64x256xf32> -> vector<64x256xf32>
    %add3A_762 = arith.addf %add3A_759, %dot_general3A_761 : vector<64x256xf32>
    %logistic3A_763 = arith.negf %add3A_762 : vector<64x256xf32>
    %logistic3A_764 = math.exp %logistic3A_763 : vector<64x256xf32>
    %logistic3A_765 = arith.constant 1.000000e+00 : f32
    %logistic3A_766 = vector.broadcast %logistic3A_765 : f32 to vector<64x256xf32>
    %logistic3A_767 = arith.addf %logistic3A_766, %logistic3A_764 : vector<64x256xf32>
    %logistic3A_768 = arith.divf %logistic3A_766, %logistic3A_767 : vector<64x256xf32>
    %mul3A_769 = arith.mulf %add3A_762, %logistic3A_768 : vector<64x256xf32>
    %slice3A_770 = vector.extract_strided_slice %get3A_7 {offsets = [0, 9], sizes = [64, 1], strides = [1, 1]} : vector<64x10xf32> to vector<64x1xf32>
    %mul3A_771 = arith.mulf %slice3A_670, %slice3A_770 : vector<64x1xf32>
    %dot_general3A_772 = arith.constant dense<0.000000e+00> : vector<64x256xf32>
    %dot_general3A_773 = tpu.matmul %mul3A_771, %broadcast_in_dim3A_28, %dot_general3A_772 {dimension_numbers = #tpu.dot_dimension_numbers<[1], [0], [0], [1], [0, 0, 1, 1], [], []>, transpose_lhs_hint = false} : vector<64x1xf32>, vector<1x256xf32>, vector<64x256xf32> -> vector<64x256xf32>
    %mul3A_774 = arith.mulf %mul3A_769, %dot_general3A_773 : vector<64x256xf32>
    %add3A_775 = arith.addf %add3A_754, %mul3A_774 : vector<64x256xf32>
    %slice3A_776 = vector.extract_strided_slice %add3A_15 {offsets = [320, 0], sizes = [64, 256], strides = [1, 1]} : vector<640x256xf32> to vector<64x256xf32>
    %slice3A_777 = vector.extract_strided_slice %get3A_4 {offsets = [0, 5], sizes = [64, 1], strides = [1, 1]} : vector<64x10xf32> to vector<64x1xf32>
    %slice3A_778 = vector.extract_strided_slice %get3A_7 {offsets = [0, 5], sizes = [64, 1], strides = [1, 1]} : vector<64x10xf32> to vector<64x1xf32>
    %slice3A_779 = vector.extract_strided_slice %get3A_4 {offsets = [0, 6], sizes = [64, 1], strides = [1, 1]} : vector<64x10xf32> to vector<64x1xf32>
    %sub3A_780 = arith.subf %slice3A_777, %slice3A_779 : vector<64x1xf32>
    %abs3A_781 = math.absf %sub3A_780 : vector<64x1xf32>
    %slice3A_782 = vector.extract_strided_slice %dot_general3A_20 {offsets = [384, 0], sizes = [64, 256], strides = [1, 1]} : vector<640x256xf32> to vector<64x256xf32>
    %add3A_783 = arith.addf %slice3A_776, %slice3A_782 : vector<64x256xf32>
    %dot_general3A_784 = arith.constant dense<0.000000e+00> : vector<64x256xf32>
    %dot_general3A_785 = tpu.matmul %abs3A_781, %get3A_23, %dot_general3A_784 {dimension_numbers = #tpu.dot_dimension_numbers<[1], [0], [0], [1], [0, 0, 1, 1], [], []>, transpose_lhs_hint = false} : vector<64x1xf32>, vector<1x256xf32>, vector<64x256xf32> -> vector<64x256xf32>
    %add3A_786 = arith.addf %add3A_783, %dot_general3A_785 : vector<64x256xf32>
    %logistic3A_787 = arith.negf %add3A_786 : vector<64x256xf32>
    %logistic3A_788 = math.exp %logistic3A_787 : vector<64x256xf32>
    %logistic3A_789 = arith.constant 1.000000e+00 : f32
    %logistic3A_790 = vector.broadcast %logistic3A_789 : f32 to vector<64x256xf32>
    %logistic3A_791 = arith.addf %logistic3A_790, %logistic3A_788 : vector<64x256xf32>
    %logistic3A_792 = arith.divf %logistic3A_790, %logistic3A_791 : vector<64x256xf32>
    %mul3A_793 = arith.mulf %add3A_786, %logistic3A_792 : vector<64x256xf32>
    %slice3A_794 = vector.extract_strided_slice %get3A_7 {offsets = [0, 6], sizes = [64, 1], strides = [1, 1]} : vector<64x10xf32> to vector<64x1xf32>
    %mul3A_795 = arith.mulf %slice3A_778, %slice3A_794 : vector<64x1xf32>
    %dot_general3A_796 = arith.constant dense<0.000000e+00> : vector<64x256xf32>
    %dot_general3A_797 = tpu.matmul %mul3A_795, %broadcast_in_dim3A_28, %dot_general3A_796 {dimension_numbers = #tpu.dot_dimension_numbers<[1], [0], [0], [1], [0, 0, 1, 1], [], []>, transpose_lhs_hint = false} : vector<64x1xf32>, vector<1x256xf32>, vector<64x256xf32> -> vector<64x256xf32>
    %mul3A_798 = arith.mulf %mul3A_793, %dot_general3A_797 : vector<64x256xf32>
    %add3A_799 = arith.addf %add3A_775, %mul3A_798 : vector<64x256xf32>
    %slice3A_800 = vector.extract_strided_slice %get3A_4 {offsets = [0, 7], sizes = [64, 1], strides = [1, 1]} : vector<64x10xf32> to vector<64x1xf32>
    %sub3A_801 = arith.subf %slice3A_777, %slice3A_800 : vector<64x1xf32>
    %abs3A_802 = math.absf %sub3A_801 : vector<64x1xf32>
    %slice3A_803 = vector.extract_strided_slice %dot_general3A_20 {offsets = [448, 0], sizes = [64, 256], strides = [1, 1]} : vector<640x256xf32> to vector<64x256xf32>
    %add3A_804 = arith.addf %slice3A_776, %slice3A_803 : vector<64x256xf32>
    %dot_general3A_805 = arith.constant dense<0.000000e+00> : vector<64x256xf32>
    %dot_general3A_806 = tpu.matmul %abs3A_802, %get3A_23, %dot_general3A_805 {dimension_numbers = #tpu.dot_dimension_numbers<[1], [0], [0], [1], [0, 0, 1, 1], [], []>, transpose_lhs_hint = false} : vector<64x1xf32>, vector<1x256xf32>, vector<64x256xf32> -> vector<64x256xf32>
    %add3A_807 = arith.addf %add3A_804, %dot_general3A_806 : vector<64x256xf32>
    %logistic3A_808 = arith.negf %add3A_807 : vector<64x256xf32>
    %logistic3A_809 = math.exp %logistic3A_808 : vector<64x256xf32>
    %logistic3A_810 = arith.constant 1.000000e+00 : f32
    %logistic3A_811 = vector.broadcast %logistic3A_810 : f32 to vector<64x256xf32>
    %logistic3A_812 = arith.addf %logistic3A_811, %logistic3A_809 : vector<64x256xf32>
    %logistic3A_813 = arith.divf %logistic3A_811, %logistic3A_812 : vector<64x256xf32>
    %mul3A_814 = arith.mulf %add3A_807, %logistic3A_813 : vector<64x256xf32>
    %slice3A_815 = vector.extract_strided_slice %get3A_7 {offsets = [0, 7], sizes = [64, 1], strides = [1, 1]} : vector<64x10xf32> to vector<64x1xf32>
    %mul3A_816 = arith.mulf %slice3A_778, %slice3A_815 : vector<64x1xf32>
    %dot_general3A_817 = arith.constant dense<0.000000e+00> : vector<64x256xf32>
    %dot_general3A_818 = tpu.matmul %mul3A_816, %broadcast_in_dim3A_28, %dot_general3A_817 {dimension_numbers = #tpu.dot_dimension_numbers<[1], [0], [0], [1], [0, 0, 1, 1], [], []>, transpose_lhs_hint = false} : vector<64x1xf32>, vector<1x256xf32>, vector<64x256xf32> -> vector<64x256xf32>
    %mul3A_819 = arith.mulf %mul3A_814, %dot_general3A_818 : vector<64x256xf32>
    %add3A_820 = arith.addf %add3A_799, %mul3A_819 : vector<64x256xf32>
    %slice3A_821 = vector.extract_strided_slice %get3A_4 {offsets = [0, 8], sizes = [64, 1], strides = [1, 1]} : vector<64x10xf32> to vector<64x1xf32>
    %sub3A_822 = arith.subf %slice3A_777, %slice3A_821 : vector<64x1xf32>
    %abs3A_823 = math.absf %sub3A_822 : vector<64x1xf32>
    %slice3A_824 = vector.extract_strided_slice %dot_general3A_20 {offsets = [512, 0], sizes = [64, 256], strides = [1, 1]} : vector<640x256xf32> to vector<64x256xf32>
    %add3A_825 = arith.addf %slice3A_776, %slice3A_824 : vector<64x256xf32>
    %dot_general3A_826 = arith.constant dense<0.000000e+00> : vector<64x256xf32>
    %dot_general3A_827 = tpu.matmul %abs3A_823, %get3A_23, %dot_general3A_826 {dimension_numbers = #tpu.dot_dimension_numbers<[1], [0], [0], [1], [0, 0, 1, 1], [], []>, transpose_lhs_hint = false} : vector<64x1xf32>, vector<1x256xf32>, vector<64x256xf32> -> vector<64x256xf32>
    %add3A_828 = arith.addf %add3A_825, %dot_general3A_827 : vector<64x256xf32>
    %logistic3A_829 = arith.negf %add3A_828 : vector<64x256xf32>
    %logistic3A_830 = math.exp %logistic3A_829 : vector<64x256xf32>
    %logistic3A_831 = arith.constant 1.000000e+00 : f32
    %logistic3A_832 = vector.broadcast %logistic3A_831 : f32 to vector<64x256xf32>
    %logistic3A_833 = arith.addf %logistic3A_832, %logistic3A_830 : vector<64x256xf32>
    %logistic3A_834 = arith.divf %logistic3A_832, %logistic3A_833 : vector<64x256xf32>
    %mul3A_835 = arith.mulf %add3A_828, %logistic3A_834 : vector<64x256xf32>
    %slice3A_836 = vector.extract_strided_slice %get3A_7 {offsets = [0, 8], sizes = [64, 1], strides = [1, 1]} : vector<64x10xf32> to vector<64x1xf32>
    %mul3A_837 = arith.mulf %slice3A_778, %slice3A_836 : vector<64x1xf32>
    %dot_general3A_838 = arith.constant dense<0.000000e+00> : vector<64x256xf32>
    %dot_general3A_839 = tpu.matmul %mul3A_837, %broadcast_in_dim3A_28, %dot_general3A_838 {dimension_numbers = #tpu.dot_dimension_numbers<[1], [0], [0], [1], [0, 0, 1, 1], [], []>, transpose_lhs_hint = false} : vector<64x1xf32>, vector<1x256xf32>, vector<64x256xf32> -> vector<64x256xf32>
    %mul3A_840 = arith.mulf %mul3A_835, %dot_general3A_839 : vector<64x256xf32>
    %add3A_841 = arith.addf %add3A_820, %mul3A_840 : vector<64x256xf32>
    %slice3A_842 = vector.extract_strided_slice %get3A_4 {offsets = [0, 9], sizes = [64, 1], strides = [1, 1]} : vector<64x10xf32> to vector<64x1xf32>
    %sub3A_843 = arith.subf %slice3A_777, %slice3A_842 : vector<64x1xf32>
    %abs3A_844 = math.absf %sub3A_843 : vector<64x1xf32>
    %slice3A_845 = vector.extract_strided_slice %dot_general3A_20 {offsets = [576, 0], sizes = [64, 256], strides = [1, 1]} : vector<640x256xf32> to vector<64x256xf32>
    %add3A_846 = arith.addf %slice3A_776, %slice3A_845 : vector<64x256xf32>
    %dot_general3A_847 = arith.constant dense<0.000000e+00> : vector<64x256xf32>
    %dot_general3A_848 = tpu.matmul %abs3A_844, %get3A_23, %dot_general3A_847 {dimension_numbers = #tpu.dot_dimension_numbers<[1], [0], [0], [1], [0, 0, 1, 1], [], []>, transpose_lhs_hint = false} : vector<64x1xf32>, vector<1x256xf32>, vector<64x256xf32> -> vector<64x256xf32>
    %add3A_849 = arith.addf %add3A_846, %dot_general3A_848 : vector<64x256xf32>
    %logistic3A_850 = arith.negf %add3A_849 : vector<64x256xf32>
    %logistic3A_851 = math.exp %logistic3A_850 : vector<64x256xf32>
    %logistic3A_852 = arith.constant 1.000000e+00 : f32
    %logistic3A_853 = vector.broadcast %logistic3A_852 : f32 to vector<64x256xf32>
    %logistic3A_854 = arith.addf %logistic3A_853, %logistic3A_851 : vector<64x256xf32>
    %logistic3A_855 = arith.divf %logistic3A_853, %logistic3A_854 : vector<64x256xf32>
    %mul3A_856 = arith.mulf %add3A_849, %logistic3A_855 : vector<64x256xf32>
    %slice3A_857 = vector.extract_strided_slice %get3A_7 {offsets = [0, 9], sizes = [64, 1], strides = [1, 1]} : vector<64x10xf32> to vector<64x1xf32>
    %mul3A_858 = arith.mulf %slice3A_778, %slice3A_857 : vector<64x1xf32>
    %dot_general3A_859 = arith.constant dense<0.000000e+00> : vector<64x256xf32>
    %dot_general3A_860 = tpu.matmul %mul3A_858, %broadcast_in_dim3A_28, %dot_general3A_859 {dimension_numbers = #tpu.dot_dimension_numbers<[1], [0], [0], [1], [0, 0, 1, 1], [], []>, transpose_lhs_hint = false} : vector<64x1xf32>, vector<1x256xf32>, vector<64x256xf32> -> vector<64x256xf32>
    %mul3A_861 = arith.mulf %mul3A_856, %dot_general3A_860 : vector<64x256xf32>
    %add3A_862 = arith.addf %add3A_841, %mul3A_861 : vector<64x256xf32>
    %slice3A_863 = vector.extract_strided_slice %add3A_15 {offsets = [384, 0], sizes = [64, 256], strides = [1, 1]} : vector<640x256xf32> to vector<64x256xf32>
    %slice3A_864 = vector.extract_strided_slice %get3A_4 {offsets = [0, 6], sizes = [64, 1], strides = [1, 1]} : vector<64x10xf32> to vector<64x1xf32>
    %slice3A_865 = vector.extract_strided_slice %get3A_7 {offsets = [0, 6], sizes = [64, 1], strides = [1, 1]} : vector<64x10xf32> to vector<64x1xf32>
    %slice3A_866 = vector.extract_strided_slice %get3A_4 {offsets = [0, 7], sizes = [64, 1], strides = [1, 1]} : vector<64x10xf32> to vector<64x1xf32>
    %sub3A_867 = arith.subf %slice3A_864, %slice3A_866 : vector<64x1xf32>
    %abs3A_868 = math.absf %sub3A_867 : vector<64x1xf32>
    %slice3A_869 = vector.extract_strided_slice %dot_general3A_20 {offsets = [448, 0], sizes = [64, 256], strides = [1, 1]} : vector<640x256xf32> to vector<64x256xf32>
    %add3A_870 = arith.addf %slice3A_863, %slice3A_869 : vector<64x256xf32>
    %dot_general3A_871 = arith.constant dense<0.000000e+00> : vector<64x256xf32>
    %dot_general3A_872 = tpu.matmul %abs3A_868, %get3A_23, %dot_general3A_871 {dimension_numbers = #tpu.dot_dimension_numbers<[1], [0], [0], [1], [0, 0, 1, 1], [], []>, transpose_lhs_hint = false} : vector<64x1xf32>, vector<1x256xf32>, vector<64x256xf32> -> vector<64x256xf32>
    %add3A_873 = arith.addf %add3A_870, %dot_general3A_872 : vector<64x256xf32>
    %logistic3A_874 = arith.negf %add3A_873 : vector<64x256xf32>
    %logistic3A_875 = math.exp %logistic3A_874 : vector<64x256xf32>
    %logistic3A_876 = arith.constant 1.000000e+00 : f32
    %logistic3A_877 = vector.broadcast %logistic3A_876 : f32 to vector<64x256xf32>
    %logistic3A_878 = arith.addf %logistic3A_877, %logistic3A_875 : vector<64x256xf32>
    %logistic3A_879 = arith.divf %logistic3A_877, %logistic3A_878 : vector<64x256xf32>
    %mul3A_880 = arith.mulf %add3A_873, %logistic3A_879 : vector<64x256xf32>
    %slice3A_881 = vector.extract_strided_slice %get3A_7 {offsets = [0, 7], sizes = [64, 1], strides = [1, 1]} : vector<64x10xf32> to vector<64x1xf32>
    %mul3A_882 = arith.mulf %slice3A_865, %slice3A_881 : vector<64x1xf32>
    %dot_general3A_883 = arith.constant dense<0.000000e+00> : vector<64x256xf32>
    %dot_general3A_884 = tpu.matmul %mul3A_882, %broadcast_in_dim3A_28, %dot_general3A_883 {dimension_numbers = #tpu.dot_dimension_numbers<[1], [0], [0], [1], [0, 0, 1, 1], [], []>, transpose_lhs_hint = false} : vector<64x1xf32>, vector<1x256xf32>, vector<64x256xf32> -> vector<64x256xf32>
    %mul3A_885 = arith.mulf %mul3A_880, %dot_general3A_884 : vector<64x256xf32>
    %add3A_886 = arith.addf %add3A_862, %mul3A_885 : vector<64x256xf32>
    %slice3A_887 = vector.extract_strided_slice %get3A_4 {offsets = [0, 8], sizes = [64, 1], strides = [1, 1]} : vector<64x10xf32> to vector<64x1xf32>
    %sub3A_888 = arith.subf %slice3A_864, %slice3A_887 : vector<64x1xf32>
    %abs3A_889 = math.absf %sub3A_888 : vector<64x1xf32>
    %slice3A_890 = vector.extract_strided_slice %dot_general3A_20 {offsets = [512, 0], sizes = [64, 256], strides = [1, 1]} : vector<640x256xf32> to vector<64x256xf32>
    %add3A_891 = arith.addf %slice3A_863, %slice3A_890 : vector<64x256xf32>
    %dot_general3A_892 = arith.constant dense<0.000000e+00> : vector<64x256xf32>
    %dot_general3A_893 = tpu.matmul %abs3A_889, %get3A_23, %dot_general3A_892 {dimension_numbers = #tpu.dot_dimension_numbers<[1], [0], [0], [1], [0, 0, 1, 1], [], []>, transpose_lhs_hint = false} : vector<64x1xf32>, vector<1x256xf32>, vector<64x256xf32> -> vector<64x256xf32>
    %add3A_894 = arith.addf %add3A_891, %dot_general3A_893 : vector<64x256xf32>
    %logistic3A_895 = arith.negf %add3A_894 : vector<64x256xf32>
    %logistic3A_896 = math.exp %logistic3A_895 : vector<64x256xf32>
    %logistic3A_897 = arith.constant 1.000000e+00 : f32
    %logistic3A_898 = vector.broadcast %logistic3A_897 : f32 to vector<64x256xf32>
    %logistic3A_899 = arith.addf %logistic3A_898, %logistic3A_896 : vector<64x256xf32>
    %logistic3A_900 = arith.divf %logistic3A_898, %logistic3A_899 : vector<64x256xf32>
    %mul3A_901 = arith.mulf %add3A_894, %logistic3A_900 : vector<64x256xf32>
    %slice3A_902 = vector.extract_strided_slice %get3A_7 {offsets = [0, 8], sizes = [64, 1], strides = [1, 1]} : vector<64x10xf32> to vector<64x1xf32>
    %mul3A_903 = arith.mulf %slice3A_865, %slice3A_902 : vector<64x1xf32>
    %dot_general3A_904 = arith.constant dense<0.000000e+00> : vector<64x256xf32>
    %dot_general3A_905 = tpu.matmul %mul3A_903, %broadcast_in_dim3A_28, %dot_general3A_904 {dimension_numbers = #tpu.dot_dimension_numbers<[1], [0], [0], [1], [0, 0, 1, 1], [], []>, transpose_lhs_hint = false} : vector<64x1xf32>, vector<1x256xf32>, vector<64x256xf32> -> vector<64x256xf32>
    %mul3A_906 = arith.mulf %mul3A_901, %dot_general3A_905 : vector<64x256xf32>
    %add3A_907 = arith.addf %add3A_886, %mul3A_906 : vector<64x256xf32>
    %slice3A_908 = vector.extract_strided_slice %get3A_4 {offsets = [0, 9], sizes = [64, 1], strides = [1, 1]} : vector<64x10xf32> to vector<64x1xf32>
    %sub3A_909 = arith.subf %slice3A_864, %slice3A_908 : vector<64x1xf32>
    %abs3A_910 = math.absf %sub3A_909 : vector<64x1xf32>
    %slice3A_911 = vector.extract_strided_slice %dot_general3A_20 {offsets = [576, 0], sizes = [64, 256], strides = [1, 1]} : vector<640x256xf32> to vector<64x256xf32>
    %add3A_912 = arith.addf %slice3A_863, %slice3A_911 : vector<64x256xf32>
    %dot_general3A_913 = arith.constant dense<0.000000e+00> : vector<64x256xf32>
    %dot_general3A_914 = tpu.matmul %abs3A_910, %get3A_23, %dot_general3A_913 {dimension_numbers = #tpu.dot_dimension_numbers<[1], [0], [0], [1], [0, 0, 1, 1], [], []>, transpose_lhs_hint = false} : vector<64x1xf32>, vector<1x256xf32>, vector<64x256xf32> -> vector<64x256xf32>
    %add3A_915 = arith.addf %add3A_912, %dot_general3A_914 : vector<64x256xf32>
    %logistic3A_916 = arith.negf %add3A_915 : vector<64x256xf32>
    %logistic3A_917 = math.exp %logistic3A_916 : vector<64x256xf32>
    %logistic3A_918 = arith.constant 1.000000e+00 : f32
    %logistic3A_919 = vector.broadcast %logistic3A_918 : f32 to vector<64x256xf32>
    %logistic3A_920 = arith.addf %logistic3A_919, %logistic3A_917 : vector<64x256xf32>
    %logistic3A_921 = arith.divf %logistic3A_919, %logistic3A_920 : vector<64x256xf32>
    %mul3A_922 = arith.mulf %add3A_915, %logistic3A_921 : vector<64x256xf32>
    %slice3A_923 = vector.extract_strided_slice %get3A_7 {offsets = [0, 9], sizes = [64, 1], strides = [1, 1]} : vector<64x10xf32> to vector<64x1xf32>
    %mul3A_924 = arith.mulf %slice3A_865, %slice3A_923 : vector<64x1xf32>
    %dot_general3A_925 = arith.constant dense<0.000000e+00> : vector<64x256xf32>
    %dot_general3A_926 = tpu.matmul %mul3A_924, %broadcast_in_dim3A_28, %dot_general3A_925 {dimension_numbers = #tpu.dot_dimension_numbers<[1], [0], [0], [1], [0, 0, 1, 1], [], []>, transpose_lhs_hint = false} : vector<64x1xf32>, vector<1x256xf32>, vector<64x256xf32> -> vector<64x256xf32>
    %mul3A_927 = arith.mulf %mul3A_922, %dot_general3A_926 : vector<64x256xf32>
    %add3A_928 = arith.addf %add3A_907, %mul3A_927 : vector<64x256xf32>
    %slice3A_929 = vector.extract_strided_slice %add3A_15 {offsets = [448, 0], sizes = [64, 256], strides = [1, 1]} : vector<640x256xf32> to vector<64x256xf32>
    %slice3A_930 = vector.extract_strided_slice %get3A_4 {offsets = [0, 7], sizes = [64, 1], strides = [1, 1]} : vector<64x10xf32> to vector<64x1xf32>
    %slice3A_931 = vector.extract_strided_slice %get3A_7 {offsets = [0, 7], sizes = [64, 1], strides = [1, 1]} : vector<64x10xf32> to vector<64x1xf32>
    %slice3A_932 = vector.extract_strided_slice %get3A_4 {offsets = [0, 8], sizes = [64, 1], strides = [1, 1]} : vector<64x10xf32> to vector<64x1xf32>
    %sub3A_933 = arith.subf %slice3A_930, %slice3A_932 : vector<64x1xf32>
    %abs3A_934 = math.absf %sub3A_933 : vector<64x1xf32>
    %slice3A_935 = vector.extract_strided_slice %dot_general3A_20 {offsets = [512, 0], sizes = [64, 256], strides = [1, 1]} : vector<640x256xf32> to vector<64x256xf32>
    %add3A_936 = arith.addf %slice3A_929, %slice3A_935 : vector<64x256xf32>
    %dot_general3A_937 = arith.constant dense<0.000000e+00> : vector<64x256xf32>
    %dot_general3A_938 = tpu.matmul %abs3A_934, %get3A_23, %dot_general3A_937 {dimension_numbers = #tpu.dot_dimension_numbers<[1], [0], [0], [1], [0, 0, 1, 1], [], []>, transpose_lhs_hint = false} : vector<64x1xf32>, vector<1x256xf32>, vector<64x256xf32> -> vector<64x256xf32>
    %add3A_939 = arith.addf %add3A_936, %dot_general3A_938 : vector<64x256xf32>
    %logistic3A_940 = arith.negf %add3A_939 : vector<64x256xf32>
    %logistic3A_941 = math.exp %logistic3A_940 : vector<64x256xf32>
    %logistic3A_942 = arith.constant 1.000000e+00 : f32
    %logistic3A_943 = vector.broadcast %logistic3A_942 : f32 to vector<64x256xf32>
    %logistic3A_944 = arith.addf %logistic3A_943, %logistic3A_941 : vector<64x256xf32>
    %logistic3A_945 = arith.divf %logistic3A_943, %logistic3A_944 : vector<64x256xf32>
    %mul3A_946 = arith.mulf %add3A_939, %logistic3A_945 : vector<64x256xf32>
    %slice3A_947 = vector.extract_strided_slice %get3A_7 {offsets = [0, 8], sizes = [64, 1], strides = [1, 1]} : vector<64x10xf32> to vector<64x1xf32>
    %mul3A_948 = arith.mulf %slice3A_931, %slice3A_947 : vector<64x1xf32>
    %dot_general3A_949 = arith.constant dense<0.000000e+00> : vector<64x256xf32>
    %dot_general3A_950 = tpu.matmul %mul3A_948, %broadcast_in_dim3A_28, %dot_general3A_949 {dimension_numbers = #tpu.dot_dimension_numbers<[1], [0], [0], [1], [0, 0, 1, 1], [], []>, transpose_lhs_hint = false} : vector<64x1xf32>, vector<1x256xf32>, vector<64x256xf32> -> vector<64x256xf32>
    %mul3A_951 = arith.mulf %mul3A_946, %dot_general3A_950 : vector<64x256xf32>
    %add3A_952 = arith.addf %add3A_928, %mul3A_951 : vector<64x256xf32>
    %slice3A_953 = vector.extract_strided_slice %get3A_4 {offsets = [0, 9], sizes = [64, 1], strides = [1, 1]} : vector<64x10xf32> to vector<64x1xf32>
    %sub3A_954 = arith.subf %slice3A_930, %slice3A_953 : vector<64x1xf32>
    %abs3A_955 = math.absf %sub3A_954 : vector<64x1xf32>
    %slice3A_956 = vector.extract_strided_slice %dot_general3A_20 {offsets = [576, 0], sizes = [64, 256], strides = [1, 1]} : vector<640x256xf32> to vector<64x256xf32>
    %add3A_957 = arith.addf %slice3A_929, %slice3A_956 : vector<64x256xf32>
    %dot_general3A_958 = arith.constant dense<0.000000e+00> : vector<64x256xf32>
    %dot_general3A_959 = tpu.matmul %abs3A_955, %get3A_23, %dot_general3A_958 {dimension_numbers = #tpu.dot_dimension_numbers<[1], [0], [0], [1], [0, 0, 1, 1], [], []>, transpose_lhs_hint = false} : vector<64x1xf32>, vector<1x256xf32>, vector<64x256xf32> -> vector<64x256xf32>
    %add3A_960 = arith.addf %add3A_957, %dot_general3A_959 : vector<64x256xf32>
    %logistic3A_961 = arith.negf %add3A_960 : vector<64x256xf32>
    %logistic3A_962 = math.exp %logistic3A_961 : vector<64x256xf32>
    %logistic3A_963 = arith.constant 1.000000e+00 : f32
    %logistic3A_964 = vector.broadcast %logistic3A_963 : f32 to vector<64x256xf32>
    %logistic3A_965 = arith.addf %logistic3A_964, %logistic3A_962 : vector<64x256xf32>
    %logistic3A_966 = arith.divf %logistic3A_964, %logistic3A_965 : vector<64x256xf32>
    %mul3A_967 = arith.mulf %add3A_960, %logistic3A_966 : vector<64x256xf32>
    %slice3A_968 = vector.extract_strided_slice %get3A_7 {offsets = [0, 9], sizes = [64, 1], strides = [1, 1]} : vector<64x10xf32> to vector<64x1xf32>
    %mul3A_969 = arith.mulf %slice3A_931, %slice3A_968 : vector<64x1xf32>
    %dot_general3A_970 = arith.constant dense<0.000000e+00> : vector<64x256xf32>
    %dot_general3A_971 = tpu.matmul %mul3A_969, %broadcast_in_dim3A_28, %dot_general3A_970 {dimension_numbers = #tpu.dot_dimension_numbers<[1], [0], [0], [1], [0, 0, 1, 1], [], []>, transpose_lhs_hint = false} : vector<64x1xf32>, vector<1x256xf32>, vector<64x256xf32> -> vector<64x256xf32>
    %mul3A_972 = arith.mulf %mul3A_967, %dot_general3A_971 : vector<64x256xf32>
    %add3A_973 = arith.addf %add3A_952, %mul3A_972 : vector<64x256xf32>
    %slice3A_974 = vector.extract_strided_slice %add3A_15 {offsets = [512, 0], sizes = [64, 256], strides = [1, 1]} : vector<640x256xf32> to vector<64x256xf32>
    %slice3A_975 = vector.extract_strided_slice %get3A_4 {offsets = [0, 8], sizes = [64, 1], strides = [1, 1]} : vector<64x10xf32> to vector<64x1xf32>
    %slice3A_976 = vector.extract_strided_slice %get3A_7 {offsets = [0, 8], sizes = [64, 1], strides = [1, 1]} : vector<64x10xf32> to vector<64x1xf32>
    %slice3A_977 = vector.extract_strided_slice %get3A_4 {offsets = [0, 9], sizes = [64, 1], strides = [1, 1]} : vector<64x10xf32> to vector<64x1xf32>
    %sub3A_978 = arith.subf %slice3A_975, %slice3A_977 : vector<64x1xf32>
    %abs3A_979 = math.absf %sub3A_978 : vector<64x1xf32>
    %slice3A_980 = vector.extract_strided_slice %dot_general3A_20 {offsets = [576, 0], sizes = [64, 256], strides = [1, 1]} : vector<640x256xf32> to vector<64x256xf32>
    %add3A_981 = arith.addf %slice3A_974, %slice3A_980 : vector<64x256xf32>
    %dot_general3A_982 = arith.constant dense<0.000000e+00> : vector<64x256xf32>
    %dot_general3A_983 = tpu.matmul %abs3A_979, %get3A_23, %dot_general3A_982 {dimension_numbers = #tpu.dot_dimension_numbers<[1], [0], [0], [1], [0, 0, 1, 1], [], []>, transpose_lhs_hint = false} : vector<64x1xf32>, vector<1x256xf32>, vector<64x256xf32> -> vector<64x256xf32>
    %add3A_984 = arith.addf %add3A_981, %dot_general3A_983 : vector<64x256xf32>
    %logistic3A_985 = arith.negf %add3A_984 : vector<64x256xf32>
    %logistic3A_986 = math.exp %logistic3A_985 : vector<64x256xf32>
    %logistic3A_987 = arith.constant 1.000000e+00 : f32
    %logistic3A_988 = vector.broadcast %logistic3A_987 : f32 to vector<64x256xf32>
    %logistic3A_989 = arith.addf %logistic3A_988, %logistic3A_986 : vector<64x256xf32>
    %logistic3A_990 = arith.divf %logistic3A_988, %logistic3A_989 : vector<64x256xf32>
    %mul3A_991 = arith.mulf %add3A_984, %logistic3A_990 : vector<64x256xf32>
    %slice3A_992 = vector.extract_strided_slice %get3A_7 {offsets = [0, 9], sizes = [64, 1], strides = [1, 1]} : vector<64x10xf32> to vector<64x1xf32>
    %mul3A_993 = arith.mulf %slice3A_976, %slice3A_992 : vector<64x1xf32>
    %dot_general3A_994 = arith.constant dense<0.000000e+00> : vector<64x256xf32>
    %dot_general3A_995 = tpu.matmul %mul3A_993, %broadcast_in_dim3A_28, %dot_general3A_994 {dimension_numbers = #tpu.dot_dimension_numbers<[1], [0], [0], [1], [0, 0, 1, 1], [], []>, transpose_lhs_hint = false} : vector<64x1xf32>, vector<1x256xf32>, vector<64x256xf32> -> vector<64x256xf32>
    %mul3A_996 = arith.mulf %mul3A_991, %dot_general3A_995 : vector<64x256xf32>
    %add3A_997 = arith.addf %add3A_973, %mul3A_996 : vector<64x256xf32>
    %reduce_sum3A = arith.constant dense<0.000000e+00> : vector<64xf32>
    %reduce_sum3A_998 = vector.multi_reduction <add>, %get3A_7, %reduce_sum3A [1] : vector<64x10xf32> to vector<64xf32>
    %broadcast_in_dim3A_999 = vector.shape_cast %reduce_sum3A_998 : vector<64xf32> to vector<64x1xf32>
    %mul3A_1000 = arith.mulf %broadcast_in_dim3A_999, %broadcast_in_dim3A_999 : vector<64x1xf32>
    %mul3A_1001 = arith.mulf %get3A_7, %get3A_7 : vector<64x10xf32>
    %reduce_sum3A_1002 = arith.constant dense<0.000000e+00> : vector<64xf32>
    %reduce_sum3A_1003 = vector.multi_reduction <add>, %mul3A_1001, %reduce_sum3A_1002 [1] : vector<64x10xf32> to vector<64xf32>
    %broadcast_in_dim3A_1004 = vector.shape_cast %reduce_sum3A_1003 : vector<64xf32> to vector<64x1xf32>
    %sub3A_1005 = arith.subf %mul3A_1000, %broadcast_in_dim3A_1004 : vector<64x1xf32>
    %mul3A_1006 = arith.constant 5.000000e-01 : f32
    %mul3A_1007 = vector.broadcast %mul3A_1006 : f32 to vector<64x1xf32>
    %mul3A_1008 = arith.mulf %mul3A_1007, %sub3A_1005 : vector<64x1xf32>
    %get3A_1009 = arith.constant 0 : index
    %get3A_1010 = arith.constant 0 : index
    %get3A_1011 = vector.load %arg4[%get3A_1009, %get3A_1010] : memref<1x256xf32, #tpu.memory_space<vmem>>, vector<1x256xf32>
    %mul3A_1012 = vector.broadcast %get3A_1011 : vector<1x256xf32> to vector<64x256xf32>
    %mul3A_1013 = arith.mulf %add3A_997, %mul3A_1012 : vector<64x256xf32>
    %reduce_sum3A_1014 = arith.constant dense<0.000000e+00> : vector<64xf32>
    %reduce_sum3A_1015 = vector.multi_reduction <add>, %mul3A_1013, %reduce_sum3A_1014 [1] : vector<64x256xf32> to vector<64xf32>
    %broadcast_in_dim3A_1016 = vector.shape_cast %reduce_sum3A_1015 : vector<64xf32> to vector<64x1xf32>
    %mul3A_1017 = vector.broadcast %get3A_27 : f32 to vector<64x1xf32>
    %mul3A_1018 = arith.mulf %mul3A_1017, %mul3A_1008 : vector<64x1xf32>
    %add3A_1019 = arith.addf %broadcast_in_dim3A_1016, %mul3A_1018 : vector<64x1xf32>
    %squeeze3A = vector.shape_cast %add3A_1019 : vector<64x1xf32> to vector<64xf32>
    %swap3A = arith.constant 0 : index
    %swap3A_1020 = vector.load %arg6[%swap3A] : memref<64xf32, #tpu.memory_space<vmem>>, vector<64xf32>
    tpu.vector_store %arg6[%swap3A], %squeeze3A {strides = array<i32>} : memref<64xf32, #tpu.memory_space<vmem>>, vector<64xf32>,
    return
  }
}

module attributes {stable_mosaic.version = 14 : i64} {
  func.func @_topk_body(%arg0: memref<64x2048xf32, #tpu.memory_space<vmem>>, %arg1: memref<64x2048xf32, #tpu.memory_space<vmem>>, %arg2: memref<640xi32, #tpu.memory_space<vmem>>, %arg3: memref<64x20xf32, #tpu.memory_space<vmem>>) attributes {dimension_semantics = [], scalar_prefetch = 0 : i64, scratch_operands = 0 : i64, tpu.core_type = #tpu.core_type<tc>} {
    %get3A = arith.constant 0 : index
    %get3A_0 = arith.constant 0 : index
    %get3A_1 = vector.load %arg0[%get3A, %get3A_0] : memref<64x2048xf32, #tpu.memory_space<vmem>>, vector<64x2048xf32>
    %get3A_2 = arith.constant 0 : index
    %get3A_3 = arith.constant 0 : index
    %get3A_4 = vector.load %arg1[%get3A_2, %get3A_3] : memref<64x2048xf32, #tpu.memory_space<vmem>>, vector<64x2048xf32>
    %iota3A = tpu.iota {dimensions = array<i32: 1>} : vector<64x2048xi32>
    %convert_element_type3A = arith.sitofp %iota3A : vector<64x2048xi32> to vector<64x2048xf32>
    %iota3A_5 = tpu.iota {dimensions = array<i32: 0>} : vector<64x1xi32>
    %mul3A = arith.constant 2048 : i32
    %mul3A_6 = vector.broadcast %mul3A : i32 to vector<64x1xi32>
    %mul3A_7 = arith.muli %iota3A_5, %mul3A_6 : vector<64x1xi32>
    %reduce_max3A = arith.constant dense<0xFF800000> : vector<64xf32>
    %reduce_max3A_8 = vector.multi_reduction <maximumf>, %get3A_1, %reduce_max3A [1] : vector<64x2048xf32> to vector<64xf32>
    %broadcast_in_dim3A = vector.shape_cast %reduce_max3A_8 : vector<64xf32> to vector<64x1xf32>
    %eq3A = vector.broadcast %broadcast_in_dim3A : vector<64x1xf32> to vector<64x2048xf32>
    %eq3A_9 = arith.cmpf oeq, %get3A_1, %eq3A : vector<64x2048xf32>
    %jit3A = arith.constant 2.048000e+03 : f32
    %broadcast_in_dim3A_10 = vector.broadcast %jit3A : f32 to vector<64x2048xf32>
    %select_n3A = arith.select %eq3A_9, %convert_element_type3A, %broadcast_in_dim3A_10 : vector<64x2048xi1>, vector<64x2048xf32>
    %reduce_min3A = arith.constant dense<0x7F800000> : vector<64xf32>
    %reduce_min3A_11 = vector.multi_reduction <minimumf>, %select_n3A, %reduce_min3A [1] : vector<64x2048xf32> to vector<64xf32>
    %broadcast_in_dim3A_12 = vector.shape_cast %reduce_min3A_11 : vector<64xf32> to vector<64x1xf32>
    %eq3A_13 = vector.broadcast %broadcast_in_dim3A_12 : vector<64x1xf32> to vector<64x2048xf32>
    %eq3A_14 = arith.cmpf oeq, %select_n3A, %eq3A_13 : vector<64x2048xf32>
    %jit3A_15 = arith.constant 0.000000e+00 : f32
    %broadcast_in_dim3A_16 = vector.broadcast %jit3A_15 : f32 to vector<64x2048xf32>
    %select_n3A_17 = arith.select %eq3A_14, %get3A_4, %broadcast_in_dim3A_16 : vector<64x2048xi1>, vector<64x2048xf32>
    %reduce_sum3A = arith.constant dense<0.000000e+00> : vector<64xf32>
    %reduce_sum3A_18 = vector.multi_reduction <add>, %select_n3A_17, %reduce_sum3A [1] : vector<64x2048xf32> to vector<64xf32>
    %broadcast_in_dim3A_19 = vector.shape_cast %reduce_sum3A_18 : vector<64xf32> to vector<64x1xf32>
    %convert_element_type3A_20 = arith.fptosi %broadcast_in_dim3A_12 : vector<64x1xf32> to vector<64x1xi32>
    %add3A = arith.addi %convert_element_type3A_20, %mul3A_7 : vector<64x1xi32>
    %jit3A_21 = arith.constant 0xFF800000 : f32
    %broadcast_in_dim3A_22 = vector.broadcast %jit3A_21 : f32 to vector<64x2048xf32>
    %select_n3A_23 = arith.select %eq3A_14, %broadcast_in_dim3A_22, %get3A_1 : vector<64x2048xi1>, vector<64x2048xf32>
    %reduce_max3A_24 = arith.constant dense<0xFF800000> : vector<64xf32>
    %reduce_max3A_25 = vector.multi_reduction <maximumf>, %select_n3A_23, %reduce_max3A_24 [1] : vector<64x2048xf32> to vector<64xf32>
    %broadcast_in_dim3A_26 = vector.shape_cast %reduce_max3A_25 : vector<64xf32> to vector<64x1xf32>
    %eq3A_27 = vector.broadcast %broadcast_in_dim3A_26 : vector<64x1xf32> to vector<64x2048xf32>
    %eq3A_28 = arith.cmpf oeq, %select_n3A_23, %eq3A_27 : vector<64x2048xf32>
    %jit3A_29 = arith.constant 2.048000e+03 : f32
    %broadcast_in_dim3A_30 = vector.broadcast %jit3A_29 : f32 to vector<64x2048xf32>
    %select_n3A_31 = arith.select %eq3A_28, %convert_element_type3A, %broadcast_in_dim3A_30 : vector<64x2048xi1>, vector<64x2048xf32>
    %reduce_min3A_32 = arith.constant dense<0x7F800000> : vector<64xf32>
    %reduce_min3A_33 = vector.multi_reduction <minimumf>, %select_n3A_31, %reduce_min3A_32 [1] : vector<64x2048xf32> to vector<64xf32>
    %broadcast_in_dim3A_34 = vector.shape_cast %reduce_min3A_33 : vector<64xf32> to vector<64x1xf32>
    %eq3A_35 = vector.broadcast %broadcast_in_dim3A_34 : vector<64x1xf32> to vector<64x2048xf32>
    %eq3A_36 = arith.cmpf oeq, %select_n3A_31, %eq3A_35 : vector<64x2048xf32>
    %jit3A_37 = arith.constant 0.000000e+00 : f32
    %broadcast_in_dim3A_38 = vector.broadcast %jit3A_37 : f32 to vector<64x2048xf32>
    %select_n3A_39 = arith.select %eq3A_36, %get3A_4, %broadcast_in_dim3A_38 : vector<64x2048xi1>, vector<64x2048xf32>
    %reduce_sum3A_40 = arith.constant dense<0.000000e+00> : vector<64xf32>
    %reduce_sum3A_41 = vector.multi_reduction <add>, %select_n3A_39, %reduce_sum3A_40 [1] : vector<64x2048xf32> to vector<64xf32>
    %broadcast_in_dim3A_42 = vector.shape_cast %reduce_sum3A_41 : vector<64xf32> to vector<64x1xf32>
    %convert_element_type3A_43 = arith.fptosi %broadcast_in_dim3A_34 : vector<64x1xf32> to vector<64x1xi32>
    %add3A_44 = arith.addi %convert_element_type3A_43, %mul3A_7 : vector<64x1xi32>
    %jit3A_45 = arith.constant 0xFF800000 : f32
    %broadcast_in_dim3A_46 = vector.broadcast %jit3A_45 : f32 to vector<64x2048xf32>
    %select_n3A_47 = arith.select %eq3A_36, %broadcast_in_dim3A_46, %select_n3A_23 : vector<64x2048xi1>, vector<64x2048xf32>
    %reduce_max3A_48 = arith.constant dense<0xFF800000> : vector<64xf32>
    %reduce_max3A_49 = vector.multi_reduction <maximumf>, %select_n3A_47, %reduce_max3A_48 [1] : vector<64x2048xf32> to vector<64xf32>
    %broadcast_in_dim3A_50 = vector.shape_cast %reduce_max3A_49 : vector<64xf32> to vector<64x1xf32>
    %eq3A_51 = vector.broadcast %broadcast_in_dim3A_50 : vector<64x1xf32> to vector<64x2048xf32>
    %eq3A_52 = arith.cmpf oeq, %select_n3A_47, %eq3A_51 : vector<64x2048xf32>
    %jit3A_53 = arith.constant 2.048000e+03 : f32
    %broadcast_in_dim3A_54 = vector.broadcast %jit3A_53 : f32 to vector<64x2048xf32>
    %select_n3A_55 = arith.select %eq3A_52, %convert_element_type3A, %broadcast_in_dim3A_54 : vector<64x2048xi1>, vector<64x2048xf32>
    %reduce_min3A_56 = arith.constant dense<0x7F800000> : vector<64xf32>
    %reduce_min3A_57 = vector.multi_reduction <minimumf>, %select_n3A_55, %reduce_min3A_56 [1] : vector<64x2048xf32> to vector<64xf32>
    %broadcast_in_dim3A_58 = vector.shape_cast %reduce_min3A_57 : vector<64xf32> to vector<64x1xf32>
    %eq3A_59 = vector.broadcast %broadcast_in_dim3A_58 : vector<64x1xf32> to vector<64x2048xf32>
    %eq3A_60 = arith.cmpf oeq, %select_n3A_55, %eq3A_59 : vector<64x2048xf32>
    %jit3A_61 = arith.constant 0.000000e+00 : f32
    %broadcast_in_dim3A_62 = vector.broadcast %jit3A_61 : f32 to vector<64x2048xf32>
    %select_n3A_63 = arith.select %eq3A_60, %get3A_4, %broadcast_in_dim3A_62 : vector<64x2048xi1>, vector<64x2048xf32>
    %reduce_sum3A_64 = arith.constant dense<0.000000e+00> : vector<64xf32>
    %reduce_sum3A_65 = vector.multi_reduction <add>, %select_n3A_63, %reduce_sum3A_64 [1] : vector<64x2048xf32> to vector<64xf32>
    %broadcast_in_dim3A_66 = vector.shape_cast %reduce_sum3A_65 : vector<64xf32> to vector<64x1xf32>
    %convert_element_type3A_67 = arith.fptosi %broadcast_in_dim3A_58 : vector<64x1xf32> to vector<64x1xi32>
    %add3A_68 = arith.addi %convert_element_type3A_67, %mul3A_7 : vector<64x1xi32>
    %jit3A_69 = arith.constant 0xFF800000 : f32
    %broadcast_in_dim3A_70 = vector.broadcast %jit3A_69 : f32 to vector<64x2048xf32>
    %select_n3A_71 = arith.select %eq3A_60, %broadcast_in_dim3A_70, %select_n3A_47 : vector<64x2048xi1>, vector<64x2048xf32>
    %reduce_max3A_72 = arith.constant dense<0xFF800000> : vector<64xf32>
    %reduce_max3A_73 = vector.multi_reduction <maximumf>, %select_n3A_71, %reduce_max3A_72 [1] : vector<64x2048xf32> to vector<64xf32>
    %broadcast_in_dim3A_74 = vector.shape_cast %reduce_max3A_73 : vector<64xf32> to vector<64x1xf32>
    %eq3A_75 = vector.broadcast %broadcast_in_dim3A_74 : vector<64x1xf32> to vector<64x2048xf32>
    %eq3A_76 = arith.cmpf oeq, %select_n3A_71, %eq3A_75 : vector<64x2048xf32>
    %jit3A_77 = arith.constant 2.048000e+03 : f32
    %broadcast_in_dim3A_78 = vector.broadcast %jit3A_77 : f32 to vector<64x2048xf32>
    %select_n3A_79 = arith.select %eq3A_76, %convert_element_type3A, %broadcast_in_dim3A_78 : vector<64x2048xi1>, vector<64x2048xf32>
    %reduce_min3A_80 = arith.constant dense<0x7F800000> : vector<64xf32>
    %reduce_min3A_81 = vector.multi_reduction <minimumf>, %select_n3A_79, %reduce_min3A_80 [1] : vector<64x2048xf32> to vector<64xf32>
    %broadcast_in_dim3A_82 = vector.shape_cast %reduce_min3A_81 : vector<64xf32> to vector<64x1xf32>
    %eq3A_83 = vector.broadcast %broadcast_in_dim3A_82 : vector<64x1xf32> to vector<64x2048xf32>
    %eq3A_84 = arith.cmpf oeq, %select_n3A_79, %eq3A_83 : vector<64x2048xf32>
    %jit3A_85 = arith.constant 0.000000e+00 : f32
    %broadcast_in_dim3A_86 = vector.broadcast %jit3A_85 : f32 to vector<64x2048xf32>
    %select_n3A_87 = arith.select %eq3A_84, %get3A_4, %broadcast_in_dim3A_86 : vector<64x2048xi1>, vector<64x2048xf32>
    %reduce_sum3A_88 = arith.constant dense<0.000000e+00> : vector<64xf32>
    %reduce_sum3A_89 = vector.multi_reduction <add>, %select_n3A_87, %reduce_sum3A_88 [1] : vector<64x2048xf32> to vector<64xf32>
    %broadcast_in_dim3A_90 = vector.shape_cast %reduce_sum3A_89 : vector<64xf32> to vector<64x1xf32>
    %convert_element_type3A_91 = arith.fptosi %broadcast_in_dim3A_82 : vector<64x1xf32> to vector<64x1xi32>
    %add3A_92 = arith.addi %convert_element_type3A_91, %mul3A_7 : vector<64x1xi32>
    %jit3A_93 = arith.constant 0xFF800000 : f32
    %broadcast_in_dim3A_94 = vector.broadcast %jit3A_93 : f32 to vector<64x2048xf32>
    %select_n3A_95 = arith.select %eq3A_84, %broadcast_in_dim3A_94, %select_n3A_71 : vector<64x2048xi1>, vector<64x2048xf32>
    %reduce_max3A_96 = arith.constant dense<0xFF800000> : vector<64xf32>
    %reduce_max3A_97 = vector.multi_reduction <maximumf>, %select_n3A_95, %reduce_max3A_96 [1] : vector<64x2048xf32> to vector<64xf32>
    %broadcast_in_dim3A_98 = vector.shape_cast %reduce_max3A_97 : vector<64xf32> to vector<64x1xf32>
    %eq3A_99 = vector.broadcast %broadcast_in_dim3A_98 : vector<64x1xf32> to vector<64x2048xf32>
    %eq3A_100 = arith.cmpf oeq, %select_n3A_95, %eq3A_99 : vector<64x2048xf32>
    %jit3A_101 = arith.constant 2.048000e+03 : f32
    %broadcast_in_dim3A_102 = vector.broadcast %jit3A_101 : f32 to vector<64x2048xf32>
    %select_n3A_103 = arith.select %eq3A_100, %convert_element_type3A, %broadcast_in_dim3A_102 : vector<64x2048xi1>, vector<64x2048xf32>
    %reduce_min3A_104 = arith.constant dense<0x7F800000> : vector<64xf32>
    %reduce_min3A_105 = vector.multi_reduction <minimumf>, %select_n3A_103, %reduce_min3A_104 [1] : vector<64x2048xf32> to vector<64xf32>
    %broadcast_in_dim3A_106 = vector.shape_cast %reduce_min3A_105 : vector<64xf32> to vector<64x1xf32>
    %eq3A_107 = vector.broadcast %broadcast_in_dim3A_106 : vector<64x1xf32> to vector<64x2048xf32>
    %eq3A_108 = arith.cmpf oeq, %select_n3A_103, %eq3A_107 : vector<64x2048xf32>
    %jit3A_109 = arith.constant 0.000000e+00 : f32
    %broadcast_in_dim3A_110 = vector.broadcast %jit3A_109 : f32 to vector<64x2048xf32>
    %select_n3A_111 = arith.select %eq3A_108, %get3A_4, %broadcast_in_dim3A_110 : vector<64x2048xi1>, vector<64x2048xf32>
    %reduce_sum3A_112 = arith.constant dense<0.000000e+00> : vector<64xf32>
    %reduce_sum3A_113 = vector.multi_reduction <add>, %select_n3A_111, %reduce_sum3A_112 [1] : vector<64x2048xf32> to vector<64xf32>
    %broadcast_in_dim3A_114 = vector.shape_cast %reduce_sum3A_113 : vector<64xf32> to vector<64x1xf32>
    %convert_element_type3A_115 = arith.fptosi %broadcast_in_dim3A_106 : vector<64x1xf32> to vector<64x1xi32>
    %add3A_116 = arith.addi %convert_element_type3A_115, %mul3A_7 : vector<64x1xi32>
    %jit3A_117 = arith.constant 0xFF800000 : f32
    %broadcast_in_dim3A_118 = vector.broadcast %jit3A_117 : f32 to vector<64x2048xf32>
    %select_n3A_119 = arith.select %eq3A_108, %broadcast_in_dim3A_118, %select_n3A_95 : vector<64x2048xi1>, vector<64x2048xf32>
    %reduce_max3A_120 = arith.constant dense<0xFF800000> : vector<64xf32>
    %reduce_max3A_121 = vector.multi_reduction <maximumf>, %select_n3A_119, %reduce_max3A_120 [1] : vector<64x2048xf32> to vector<64xf32>
    %broadcast_in_dim3A_122 = vector.shape_cast %reduce_max3A_121 : vector<64xf32> to vector<64x1xf32>
    %eq3A_123 = vector.broadcast %broadcast_in_dim3A_122 : vector<64x1xf32> to vector<64x2048xf32>
    %eq3A_124 = arith.cmpf oeq, %select_n3A_119, %eq3A_123 : vector<64x2048xf32>
    %jit3A_125 = arith.constant 2.048000e+03 : f32
    %broadcast_in_dim3A_126 = vector.broadcast %jit3A_125 : f32 to vector<64x2048xf32>
    %select_n3A_127 = arith.select %eq3A_124, %convert_element_type3A, %broadcast_in_dim3A_126 : vector<64x2048xi1>, vector<64x2048xf32>
    %reduce_min3A_128 = arith.constant dense<0x7F800000> : vector<64xf32>
    %reduce_min3A_129 = vector.multi_reduction <minimumf>, %select_n3A_127, %reduce_min3A_128 [1] : vector<64x2048xf32> to vector<64xf32>
    %broadcast_in_dim3A_130 = vector.shape_cast %reduce_min3A_129 : vector<64xf32> to vector<64x1xf32>
    %eq3A_131 = vector.broadcast %broadcast_in_dim3A_130 : vector<64x1xf32> to vector<64x2048xf32>
    %eq3A_132 = arith.cmpf oeq, %select_n3A_127, %eq3A_131 : vector<64x2048xf32>
    %jit3A_133 = arith.constant 0.000000e+00 : f32
    %broadcast_in_dim3A_134 = vector.broadcast %jit3A_133 : f32 to vector<64x2048xf32>
    %select_n3A_135 = arith.select %eq3A_132, %get3A_4, %broadcast_in_dim3A_134 : vector<64x2048xi1>, vector<64x2048xf32>
    %reduce_sum3A_136 = arith.constant dense<0.000000e+00> : vector<64xf32>
    %reduce_sum3A_137 = vector.multi_reduction <add>, %select_n3A_135, %reduce_sum3A_136 [1] : vector<64x2048xf32> to vector<64xf32>
    %broadcast_in_dim3A_138 = vector.shape_cast %reduce_sum3A_137 : vector<64xf32> to vector<64x1xf32>
    %convert_element_type3A_139 = arith.fptosi %broadcast_in_dim3A_130 : vector<64x1xf32> to vector<64x1xi32>
    %add3A_140 = arith.addi %convert_element_type3A_139, %mul3A_7 : vector<64x1xi32>
    %jit3A_141 = arith.constant 0xFF800000 : f32
    %broadcast_in_dim3A_142 = vector.broadcast %jit3A_141 : f32 to vector<64x2048xf32>
    %select_n3A_143 = arith.select %eq3A_132, %broadcast_in_dim3A_142, %select_n3A_119 : vector<64x2048xi1>, vector<64x2048xf32>
    %reduce_max3A_144 = arith.constant dense<0xFF800000> : vector<64xf32>
    %reduce_max3A_145 = vector.multi_reduction <maximumf>, %select_n3A_143, %reduce_max3A_144 [1] : vector<64x2048xf32> to vector<64xf32>
    %broadcast_in_dim3A_146 = vector.shape_cast %reduce_max3A_145 : vector<64xf32> to vector<64x1xf32>
    %eq3A_147 = vector.broadcast %broadcast_in_dim3A_146 : vector<64x1xf32> to vector<64x2048xf32>
    %eq3A_148 = arith.cmpf oeq, %select_n3A_143, %eq3A_147 : vector<64x2048xf32>
    %jit3A_149 = arith.constant 2.048000e+03 : f32
    %broadcast_in_dim3A_150 = vector.broadcast %jit3A_149 : f32 to vector<64x2048xf32>
    %select_n3A_151 = arith.select %eq3A_148, %convert_element_type3A, %broadcast_in_dim3A_150 : vector<64x2048xi1>, vector<64x2048xf32>
    %reduce_min3A_152 = arith.constant dense<0x7F800000> : vector<64xf32>
    %reduce_min3A_153 = vector.multi_reduction <minimumf>, %select_n3A_151, %reduce_min3A_152 [1] : vector<64x2048xf32> to vector<64xf32>
    %broadcast_in_dim3A_154 = vector.shape_cast %reduce_min3A_153 : vector<64xf32> to vector<64x1xf32>
    %eq3A_155 = vector.broadcast %broadcast_in_dim3A_154 : vector<64x1xf32> to vector<64x2048xf32>
    %eq3A_156 = arith.cmpf oeq, %select_n3A_151, %eq3A_155 : vector<64x2048xf32>
    %jit3A_157 = arith.constant 0.000000e+00 : f32
    %broadcast_in_dim3A_158 = vector.broadcast %jit3A_157 : f32 to vector<64x2048xf32>
    %select_n3A_159 = arith.select %eq3A_156, %get3A_4, %broadcast_in_dim3A_158 : vector<64x2048xi1>, vector<64x2048xf32>
    %reduce_sum3A_160 = arith.constant dense<0.000000e+00> : vector<64xf32>
    %reduce_sum3A_161 = vector.multi_reduction <add>, %select_n3A_159, %reduce_sum3A_160 [1] : vector<64x2048xf32> to vector<64xf32>
    %broadcast_in_dim3A_162 = vector.shape_cast %reduce_sum3A_161 : vector<64xf32> to vector<64x1xf32>
    %convert_element_type3A_163 = arith.fptosi %broadcast_in_dim3A_154 : vector<64x1xf32> to vector<64x1xi32>
    %add3A_164 = arith.addi %convert_element_type3A_163, %mul3A_7 : vector<64x1xi32>
    %jit3A_165 = arith.constant 0xFF800000 : f32
    %broadcast_in_dim3A_166 = vector.broadcast %jit3A_165 : f32 to vector<64x2048xf32>
    %select_n3A_167 = arith.select %eq3A_156, %broadcast_in_dim3A_166, %select_n3A_143 : vector<64x2048xi1>, vector<64x2048xf32>
    %reduce_max3A_168 = arith.constant dense<0xFF800000> : vector<64xf32>
    %reduce_max3A_169 = vector.multi_reduction <maximumf>, %select_n3A_167, %reduce_max3A_168 [1] : vector<64x2048xf32> to vector<64xf32>
    %broadcast_in_dim3A_170 = vector.shape_cast %reduce_max3A_169 : vector<64xf32> to vector<64x1xf32>
    %eq3A_171 = vector.broadcast %broadcast_in_dim3A_170 : vector<64x1xf32> to vector<64x2048xf32>
    %eq3A_172 = arith.cmpf oeq, %select_n3A_167, %eq3A_171 : vector<64x2048xf32>
    %jit3A_173 = arith.constant 2.048000e+03 : f32
    %broadcast_in_dim3A_174 = vector.broadcast %jit3A_173 : f32 to vector<64x2048xf32>
    %select_n3A_175 = arith.select %eq3A_172, %convert_element_type3A, %broadcast_in_dim3A_174 : vector<64x2048xi1>, vector<64x2048xf32>
    %reduce_min3A_176 = arith.constant dense<0x7F800000> : vector<64xf32>
    %reduce_min3A_177 = vector.multi_reduction <minimumf>, %select_n3A_175, %reduce_min3A_176 [1] : vector<64x2048xf32> to vector<64xf32>
    %broadcast_in_dim3A_178 = vector.shape_cast %reduce_min3A_177 : vector<64xf32> to vector<64x1xf32>
    %eq3A_179 = vector.broadcast %broadcast_in_dim3A_178 : vector<64x1xf32> to vector<64x2048xf32>
    %eq3A_180 = arith.cmpf oeq, %select_n3A_175, %eq3A_179 : vector<64x2048xf32>
    %jit3A_181 = arith.constant 0.000000e+00 : f32
    %broadcast_in_dim3A_182 = vector.broadcast %jit3A_181 : f32 to vector<64x2048xf32>
    %select_n3A_183 = arith.select %eq3A_180, %get3A_4, %broadcast_in_dim3A_182 : vector<64x2048xi1>, vector<64x2048xf32>
    %reduce_sum3A_184 = arith.constant dense<0.000000e+00> : vector<64xf32>
    %reduce_sum3A_185 = vector.multi_reduction <add>, %select_n3A_183, %reduce_sum3A_184 [1] : vector<64x2048xf32> to vector<64xf32>
    %broadcast_in_dim3A_186 = vector.shape_cast %reduce_sum3A_185 : vector<64xf32> to vector<64x1xf32>
    %convert_element_type3A_187 = arith.fptosi %broadcast_in_dim3A_178 : vector<64x1xf32> to vector<64x1xi32>
    %add3A_188 = arith.addi %convert_element_type3A_187, %mul3A_7 : vector<64x1xi32>
    %jit3A_189 = arith.constant 0xFF800000 : f32
    %broadcast_in_dim3A_190 = vector.broadcast %jit3A_189 : f32 to vector<64x2048xf32>
    %select_n3A_191 = arith.select %eq3A_180, %broadcast_in_dim3A_190, %select_n3A_167 : vector<64x2048xi1>, vector<64x2048xf32>
    %reduce_max3A_192 = arith.constant dense<0xFF800000> : vector<64xf32>
    %reduce_max3A_193 = vector.multi_reduction <maximumf>, %select_n3A_191, %reduce_max3A_192 [1] : vector<64x2048xf32> to vector<64xf32>
    %broadcast_in_dim3A_194 = vector.shape_cast %reduce_max3A_193 : vector<64xf32> to vector<64x1xf32>
    %eq3A_195 = vector.broadcast %broadcast_in_dim3A_194 : vector<64x1xf32> to vector<64x2048xf32>
    %eq3A_196 = arith.cmpf oeq, %select_n3A_191, %eq3A_195 : vector<64x2048xf32>
    %jit3A_197 = arith.constant 2.048000e+03 : f32
    %broadcast_in_dim3A_198 = vector.broadcast %jit3A_197 : f32 to vector<64x2048xf32>
    %select_n3A_199 = arith.select %eq3A_196, %convert_element_type3A, %broadcast_in_dim3A_198 : vector<64x2048xi1>, vector<64x2048xf32>
    %reduce_min3A_200 = arith.constant dense<0x7F800000> : vector<64xf32>
    %reduce_min3A_201 = vector.multi_reduction <minimumf>, %select_n3A_199, %reduce_min3A_200 [1] : vector<64x2048xf32> to vector<64xf32>
    %broadcast_in_dim3A_202 = vector.shape_cast %reduce_min3A_201 : vector<64xf32> to vector<64x1xf32>
    %eq3A_203 = vector.broadcast %broadcast_in_dim3A_202 : vector<64x1xf32> to vector<64x2048xf32>
    %eq3A_204 = arith.cmpf oeq, %select_n3A_199, %eq3A_203 : vector<64x2048xf32>
    %jit3A_205 = arith.constant 0.000000e+00 : f32
    %broadcast_in_dim3A_206 = vector.broadcast %jit3A_205 : f32 to vector<64x2048xf32>
    %select_n3A_207 = arith.select %eq3A_204, %get3A_4, %broadcast_in_dim3A_206 : vector<64x2048xi1>, vector<64x2048xf32>
    %reduce_sum3A_208 = arith.constant dense<0.000000e+00> : vector<64xf32>
    %reduce_sum3A_209 = vector.multi_reduction <add>, %select_n3A_207, %reduce_sum3A_208 [1] : vector<64x2048xf32> to vector<64xf32>
    %broadcast_in_dim3A_210 = vector.shape_cast %reduce_sum3A_209 : vector<64xf32> to vector<64x1xf32>
    %convert_element_type3A_211 = arith.fptosi %broadcast_in_dim3A_202 : vector<64x1xf32> to vector<64x1xi32>
    %add3A_212 = arith.addi %convert_element_type3A_211, %mul3A_7 : vector<64x1xi32>
    %jit3A_213 = arith.constant 0xFF800000 : f32
    %broadcast_in_dim3A_214 = vector.broadcast %jit3A_213 : f32 to vector<64x2048xf32>
    %select_n3A_215 = arith.select %eq3A_204, %broadcast_in_dim3A_214, %select_n3A_191 : vector<64x2048xi1>, vector<64x2048xf32>
    %reduce_max3A_216 = arith.constant dense<0xFF800000> : vector<64xf32>
    %reduce_max3A_217 = vector.multi_reduction <maximumf>, %select_n3A_215, %reduce_max3A_216 [1] : vector<64x2048xf32> to vector<64xf32>
    %broadcast_in_dim3A_218 = vector.shape_cast %reduce_max3A_217 : vector<64xf32> to vector<64x1xf32>
    %eq3A_219 = vector.broadcast %broadcast_in_dim3A_218 : vector<64x1xf32> to vector<64x2048xf32>
    %eq3A_220 = arith.cmpf oeq, %select_n3A_215, %eq3A_219 : vector<64x2048xf32>
    %jit3A_221 = arith.constant 2.048000e+03 : f32
    %broadcast_in_dim3A_222 = vector.broadcast %jit3A_221 : f32 to vector<64x2048xf32>
    %select_n3A_223 = arith.select %eq3A_220, %convert_element_type3A, %broadcast_in_dim3A_222 : vector<64x2048xi1>, vector<64x2048xf32>
    %reduce_min3A_224 = arith.constant dense<0x7F800000> : vector<64xf32>
    %reduce_min3A_225 = vector.multi_reduction <minimumf>, %select_n3A_223, %reduce_min3A_224 [1] : vector<64x2048xf32> to vector<64xf32>
    %broadcast_in_dim3A_226 = vector.shape_cast %reduce_min3A_225 : vector<64xf32> to vector<64x1xf32>
    %eq3A_227 = vector.broadcast %broadcast_in_dim3A_226 : vector<64x1xf32> to vector<64x2048xf32>
    %eq3A_228 = arith.cmpf oeq, %select_n3A_223, %eq3A_227 : vector<64x2048xf32>
    %jit3A_229 = arith.constant 0.000000e+00 : f32
    %broadcast_in_dim3A_230 = vector.broadcast %jit3A_229 : f32 to vector<64x2048xf32>
    %select_n3A_231 = arith.select %eq3A_228, %get3A_4, %broadcast_in_dim3A_230 : vector<64x2048xi1>, vector<64x2048xf32>
    %reduce_sum3A_232 = arith.constant dense<0.000000e+00> : vector<64xf32>
    %reduce_sum3A_233 = vector.multi_reduction <add>, %select_n3A_231, %reduce_sum3A_232 [1] : vector<64x2048xf32> to vector<64xf32>
    %broadcast_in_dim3A_234 = vector.shape_cast %reduce_sum3A_233 : vector<64xf32> to vector<64x1xf32>
    %convert_element_type3A_235 = arith.fptosi %broadcast_in_dim3A_226 : vector<64x1xf32> to vector<64x1xi32>
    %add3A_236 = arith.addi %convert_element_type3A_235, %mul3A_7 : vector<64x1xi32>
    %concatenate3A = tpu.concatenate %add3A, %add3A_44, %add3A_68, %add3A_92, %add3A_116, %add3A_140, %add3A_164, %add3A_188, %add3A_212, %add3A_236 in 1 : vector<64x1xi32>, vector<64x1xi32>, vector<64x1xi32>, vector<64x1xi32>, vector<64x1xi32>, vector<64x1xi32>, vector<64x1xi32>, vector<64x1xi32>, vector<64x1xi32>, vector<64x1xi32> -> vector<64x10xi32>
    %transpose3A = tpu.transpose %concatenate3A, [1, 0] : vector<64x10xi32> -> vector<10x64xi32>
    %slice3A = vector.extract_strided_slice %transpose3A {offsets = [0, 0], sizes = [1, 64], strides = [1, 1]} : vector<10x64xi32> to vector<1x64xi32>
    %squeeze3A = vector.shape_cast %slice3A : vector<1x64xi32> to vector<64xi32>
    %swap3A = arith.constant 0 : index
    %swap3A_237 = vector.load %arg2[%swap3A] : memref<640xi32, #tpu.memory_space<vmem>>, vector<64xi32>
    tpu.vector_store %arg2[%swap3A], %squeeze3A {strides = array<i32>} : memref<640xi32, #tpu.memory_space<vmem>>, vector<64xi32>,
    %slice3A_238 = vector.extract_strided_slice %transpose3A {offsets = [1, 0], sizes = [1, 64], strides = [1, 1]} : vector<10x64xi32> to vector<1x64xi32>
    %squeeze3A_239 = vector.shape_cast %slice3A_238 : vector<1x64xi32> to vector<64xi32>
    %swap3A_240 = arith.constant 64 : index
    %swap3A_241 = vector.load %arg2[%swap3A_240] : memref<640xi32, #tpu.memory_space<vmem>>, vector<64xi32>
    tpu.vector_store %arg2[%swap3A_240], %squeeze3A_239 {strides = array<i32>} : memref<640xi32, #tpu.memory_space<vmem>>, vector<64xi32>,
    %slice3A_242 = vector.extract_strided_slice %transpose3A {offsets = [2, 0], sizes = [1, 64], strides = [1, 1]} : vector<10x64xi32> to vector<1x64xi32>
    %squeeze3A_243 = vector.shape_cast %slice3A_242 : vector<1x64xi32> to vector<64xi32>
    %swap3A_244 = arith.constant 128 : index
    %swap3A_245 = vector.load %arg2[%swap3A_244] : memref<640xi32, #tpu.memory_space<vmem>>, vector<64xi32>
    tpu.vector_store %arg2[%swap3A_244], %squeeze3A_243 {strides = array<i32>} : memref<640xi32, #tpu.memory_space<vmem>>, vector<64xi32>,
    %slice3A_246 = vector.extract_strided_slice %transpose3A {offsets = [3, 0], sizes = [1, 64], strides = [1, 1]} : vector<10x64xi32> to vector<1x64xi32>
    %squeeze3A_247 = vector.shape_cast %slice3A_246 : vector<1x64xi32> to vector<64xi32>
    %swap3A_248 = arith.constant 192 : index
    %swap3A_249 = vector.load %arg2[%swap3A_248] : memref<640xi32, #tpu.memory_space<vmem>>, vector<64xi32>
    tpu.vector_store %arg2[%swap3A_248], %squeeze3A_247 {strides = array<i32>} : memref<640xi32, #tpu.memory_space<vmem>>, vector<64xi32>,
    %slice3A_250 = vector.extract_strided_slice %transpose3A {offsets = [4, 0], sizes = [1, 64], strides = [1, 1]} : vector<10x64xi32> to vector<1x64xi32>
    %squeeze3A_251 = vector.shape_cast %slice3A_250 : vector<1x64xi32> to vector<64xi32>
    %swap3A_252 = arith.constant 256 : index
    %swap3A_253 = vector.load %arg2[%swap3A_252] : memref<640xi32, #tpu.memory_space<vmem>>, vector<64xi32>
    tpu.vector_store %arg2[%swap3A_252], %squeeze3A_251 {strides = array<i32>} : memref<640xi32, #tpu.memory_space<vmem>>, vector<64xi32>,
    %slice3A_254 = vector.extract_strided_slice %transpose3A {offsets = [5, 0], sizes = [1, 64], strides = [1, 1]} : vector<10x64xi32> to vector<1x64xi32>
    %squeeze3A_255 = vector.shape_cast %slice3A_254 : vector<1x64xi32> to vector<64xi32>
    %swap3A_256 = arith.constant 320 : index
    %swap3A_257 = vector.load %arg2[%swap3A_256] : memref<640xi32, #tpu.memory_space<vmem>>, vector<64xi32>
    tpu.vector_store %arg2[%swap3A_256], %squeeze3A_255 {strides = array<i32>} : memref<640xi32, #tpu.memory_space<vmem>>, vector<64xi32>,
    %slice3A_258 = vector.extract_strided_slice %transpose3A {offsets = [6, 0], sizes = [1, 64], strides = [1, 1]} : vector<10x64xi32> to vector<1x64xi32>
    %squeeze3A_259 = vector.shape_cast %slice3A_258 : vector<1x64xi32> to vector<64xi32>
    %swap3A_260 = arith.constant 384 : index
    %swap3A_261 = vector.load %arg2[%swap3A_260] : memref<640xi32, #tpu.memory_space<vmem>>, vector<64xi32>
    tpu.vector_store %arg2[%swap3A_260], %squeeze3A_259 {strides = array<i32>} : memref<640xi32, #tpu.memory_space<vmem>>, vector<64xi32>,
    %slice3A_262 = vector.extract_strided_slice %transpose3A {offsets = [7, 0], sizes = [1, 64], strides = [1, 1]} : vector<10x64xi32> to vector<1x64xi32>
    %squeeze3A_263 = vector.shape_cast %slice3A_262 : vector<1x64xi32> to vector<64xi32>
    %swap3A_264 = arith.constant 448 : index
    %swap3A_265 = vector.load %arg2[%swap3A_264] : memref<640xi32, #tpu.memory_space<vmem>>, vector<64xi32>
    tpu.vector_store %arg2[%swap3A_264], %squeeze3A_263 {strides = array<i32>} : memref<640xi32, #tpu.memory_space<vmem>>, vector<64xi32>,
    %slice3A_266 = vector.extract_strided_slice %transpose3A {offsets = [8, 0], sizes = [1, 64], strides = [1, 1]} : vector<10x64xi32> to vector<1x64xi32>
    %squeeze3A_267 = vector.shape_cast %slice3A_266 : vector<1x64xi32> to vector<64xi32>
    %swap3A_268 = arith.constant 512 : index
    %swap3A_269 = vector.load %arg2[%swap3A_268] : memref<640xi32, #tpu.memory_space<vmem>>, vector<64xi32>
    tpu.vector_store %arg2[%swap3A_268], %squeeze3A_267 {strides = array<i32>} : memref<640xi32, #tpu.memory_space<vmem>>, vector<64xi32>,
    %slice3A_270 = vector.extract_strided_slice %transpose3A {offsets = [9, 0], sizes = [1, 64], strides = [1, 1]} : vector<10x64xi32> to vector<1x64xi32>
    %squeeze3A_271 = vector.shape_cast %slice3A_270 : vector<1x64xi32> to vector<64xi32>
    %swap3A_272 = arith.constant 576 : index
    %swap3A_273 = vector.load %arg2[%swap3A_272] : memref<640xi32, #tpu.memory_space<vmem>>, vector<64xi32>
    tpu.vector_store %arg2[%swap3A_272], %squeeze3A_271 {strides = array<i32>} : memref<640xi32, #tpu.memory_space<vmem>>, vector<64xi32>,
    %concatenate3A_274 = tpu.concatenate %broadcast_in_dim3A_19, %broadcast_in_dim3A_42, %broadcast_in_dim3A_66, %broadcast_in_dim3A_90, %broadcast_in_dim3A_114, %broadcast_in_dim3A_138, %broadcast_in_dim3A_162, %broadcast_in_dim3A_186, %broadcast_in_dim3A_210, %broadcast_in_dim3A_234, %broadcast_in_dim3A, %broadcast_in_dim3A_26, %broadcast_in_dim3A_50, %broadcast_in_dim3A_74, %broadcast_in_dim3A_98, %broadcast_in_dim3A_122, %broadcast_in_dim3A_146, %broadcast_in_dim3A_170, %broadcast_in_dim3A_194, %broadcast_in_dim3A_218 in 1 : vector<64x1xf32>, vector<64x1xf32>, vector<64x1xf32>, vector<64x1xf32>, vector<64x1xf32>, vector<64x1xf32>, vector<64x1xf32>, vector<64x1xf32>, vector<64x1xf32>, vector<64x1xf32>, vector<64x1xf32>, vector<64x1xf32>, vector<64x1xf32>, vector<64x1xf32>, vector<64x1xf32>, vector<64x1xf32>, vector<64x1xf32>, vector<64x1xf32>, vector<64x1xf32>, vector<64x1xf32> -> vector<64x20xf32>
    %swap3A_275 = arith.constant 0 : index
    %swap3A_276 = arith.constant 0 : index
    %swap3A_277 = vector.load %arg3[%swap3A_275, %swap3A_276] : memref<64x20xf32, #tpu.memory_space<vmem>>, vector<64x20xf32>
    tpu.vector_store %arg3[%swap3A_275, %swap3A_276], %concatenate3A_274 {strides = array<i32>} : memref<64x20xf32, #tpu.memory_space<vmem>>, vector<64x20xf32>,
    return
  }
}

</mosaic_0001>

<sc_bundles>
// kernel: kernel.5.cloned.1.call-start
scs
__scs_entry_jumppad:
0x0: {  	(pc) =	sbr.rel $0x88, $3  }
0x1: {  	(tag) =	ssettag $0x0;
	lr =	simm.s32 $0x1  }
0x2: {  	[smem:$0x3F9A] =	sst lr;
	_ =	strace $0xD0000000  }
0x3: {  	_ = 	snop  }
0x4: {  	_ = 	snop  }
0x5: {  	_ = 	snop  }
0x6: {  	_ = 	snop  }
0x7: {  	_ = 	snop  }
__scs_overlays_trampoline_lowered:
0x8: {  	[smem:$0x3FA9] =	sst s0  }
0x9: {  	[smem:$0x3FAA] =	sst s1  }
0xa: {  	[smem:$0x3FAB] =	sst s2  }
0xb: {  	[smem:$0x3FAC] =	sst s3  }
0xc: {  	[smem:$0x3FAD] =	sst s4  }
0xd: {  	[smem:$0x3FAE] =	sst s5  }
0xe: {  	[smem:$0x3FAF] =	sst s6  }
0xf: {  	[smem:$0x3FB0] =	sst s7  }
0x10: {  	[smem:$0x3FB1] =	sst s8  }
0x11: {  	[smem:$0x3FB2] =	sst s9;
	s0 =	simm.s32 @!p0 $0x0  }
0x12: {  	s1 =	sld [smem:$0x3F98];
	s0 =	simm.s32 @p0 $0x1  }
0x13: {  	[smem:$0x3FB3] =	sst s0;
	s0 =	simm.s32 @!p1 $0x0  }
0x14: {  	s2 =	sld [smem:$0x3F97];
	s0 =	simm.s32 @p1 $0x1  }
0x15: {  	[smem:$0x3FB4] =	sst s0;
	s0 =	simm.s32 @!p2 $0x0  }
0x16: {  	s3 =	sld [smem:$0x3FDB];
	s0 =	simm.s32 @p2 $0x1  }
0x17: {  	s4 =	simm.s32 $0x1BF5;
	[smem:$0x3FB6] =	sst s0  }
0x18: {  	s0 =	sld [smem:$0x3F99];
	_ =	swait.ge [sflag:s4], $0x0  }
0x19: {  	s7 =	sld [smem:$0x3F9A]  }
0x1a: {  	s8 =	sadd.s32 $0xFFFFE003, lr  }
0x1b: {  	s9 =	sadd.s32 $0xFFFFFEF7, lr;
	s5 =	simm.s32 $0xFFFFFFFF;
	p2 =	slt.u32 s8, $0xFFFFF086  }
0x1c: {  	p1 =	slt.u32 s9, $0xF7A;
	s5 =	simm.s32 @!p2 $0x0  }
0x1d: {  	s5 =	simm.s32 @p1 $0x1;
	p0 =	seq.s32 s7, s2  }
0x1e: {  	s7 =	smul.u32 @!p0 $0xF7A, s2;
	p2 =	seq.s32 @!p0 s5, $0x0  }
0x1f: {  	s9 =	smul.u32 $0xF7A, s1;
	s8 =	simm.s32 @!p0 $0x1BF5;
	p2 =	por !p2, p0  }
0x20: {  	[sflag:s8] =	ssyncset.s32 @!p0 $0xFFFFF086;
	s6 =	sadd.s32 @!p0 s3, s7;
	s7 =	simm.s32 @!p0 $0x108  }
0x21: {  	s3 =	sadd.s32 s3, s9;
	s6 =	sadd.s32 @!p0 $0x88, s6;
	s7 =	simm.s32 @p2 $0x1082  }
0x22: {  	[simem:s7], [sflag:s8] =	dma.local @!p0 [hbm:s6], $0xF7A  }
0x23: {  	s9 =	sor.u32 $0xD0000000, s2;
	s6 =	simm.s32 $0x108;
	_ =	swait.ge @!p0 [sflag:s8], $0x0  }
0x24: {  	s3 =	sadd.s32 $0x88, s3;
	s6 =	simm.s32 @!p1 $0x1082;
	[sflag:s4] =	ssyncset.s32 $0xFFFFF086  }
0x25: {  	[simem:s6], [sflag:s4] =	dma.local [hbm:s3], $0xF7A  }
0x26: {  	[smem:$0x3F9A] =	sst s1;
	(tag) =	ssettag s2;
	_ =	strace s9  }
0x27: {  	s1 =	sld [smem:$0x3FAA]  }
0x28: {  	s2 =	sld [smem:$0x3FAB]  }
0x29: {  	s4 =	sld [smem:$0x3FAD]  }
0x2a: {  	p0 =	seq.s32 s5, $0x0;
	s5 =	sld [smem:$0x3FAE]  }
0x2b: {  	s6 =	sld [smem:$0x3FAF]  }
0x2c: {  	s7 =	sld [smem:$0x3FB0]  }
0x2d: {  	s3 =	simm.s32 $0x108;
	s8 =	sld [smem:$0x3FB1]  }
0x2e: {  	s3 =	simm.s32 @!p0 $0x1082;
	s9 =	sld [smem:$0x3FB2]  }
0x2f: {  	lr =	sadd.s32 s0, s3;
	s0 =	sld [smem:$0x3FA9]  }
0x30: {  	s3 =	sld [smem:$0x3FAC]  }
0x31: {  	[smem:$0x3FB5] =	sst s10  }
0x32: {  	s10 =	sld [smem:$0x3FB3];
	_ =	sdelay $0x3  }
0x33: {  	p0 =	seq.s32 s10, $0x1;
	s10 =	sld [smem:$0x3FB5];
	_ =	sdelay $0x3  }
0x34: {  	[smem:$0x3FB5] =	sst s10  }
0x35: {  	s10 =	sld [smem:$0x3FB4];
	_ =	sdelay $0x3  }
0x36: {  	p1 =	seq.s32 s10, $0x1;
	s10 =	sld [smem:$0x3FB5];
	_ =	sdelay $0x3  }
0x37: {  	[smem:$0x3FB5] =	sst s10  }
0x38: {  	s10 =	sld [smem:$0x3FB6]  }
0x39: {  	_ = 	snop;
	(pc) =	sbr.ind lr, $3  }
0x3a: {  	_ = 	snop  }
0x3b: {  	_ = 	snop  }
0x3c: {  	p2 =	seq.s32 s10, $0x1;
	s10 =	sld [smem:$0x3FB5]  }
0x3d: {  	_ =	shalt  }
0x3e: {  	_ =	shalt  }
0x3f: {  	_ =	shalt  }
0x40: {  	_ =	shalt  }
0x41: {  	_ =	shalt  }
0x42: {  	_ =	shalt  }
0x43: {  	_ =	shalt  }
0x44: {  	_ =	shalt  }
0x45: {  	_ =	shalt  }
0x46: {  	_ =	shalt  }
0x47: {  	_ =	shalt  }
0x48: {  	_ =	shalt  }
0x49: {  	_ =	shalt  }
0x4a: {  	_ =	shalt  }
0x4b: {  	_ =	shalt  }
0x4c: {  	_ =	shalt  }
0x4d: {  	_ =	shalt  }
0x4e: {  	_ =	shalt  }
0x4f: {  	_ =	shalt  }
0x50: {  	_ =	shalt  }
0x51: {  	_ =	shalt  }
0x52: {  	_ =	shalt  }
0x53: {  	_ =	shalt  }
0x54: {  	_ =	shalt  }
0x55: {  	_ =	shalt  }
0x56: {  	_ =	shalt  }
0x57: {  	_ =	shalt  }
0x58: {  	_ =	shalt  }
0x59: {  	_ =	shalt  }
0x5a: {  	_ =	shalt  }
0x5b: {  	_ =	shalt  }
0x5c: {  	_ =	shalt  }
0x5d: {  	_ =	shalt  }
0x5e: {  	_ =	shalt  }
0x5f: {  	_ =	shalt  }
0x60: {  	_ =	shalt  }
0x61: {  	_ =	shalt  }
0x62: {  	_ =	shalt  }
0x63: {  	_ =	shalt  }
0x64: {  	_ =	shalt  }
0x65: {  	_ =	shalt  }
0x66: {  	_ =	shalt  }
0x67: {  	_ =	shalt  }
0x68: {  	_ =	shalt  }
0x69: {  	_ =	shalt  }
0x6a: {  	_ =	shalt  }
0x6b: {  	_ =	shalt  }
0x6c: {  	_ =	shalt  }
0x6d: {  	_ =	shalt  }
0x6e: {  	_ =	shalt  }
0x6f: {  	_ =	shalt  }
0x70: {  	_ =	shalt  }
0x71: {  	_ =	shalt  }
0x72: {  	_ =	shalt  }
0x73: {  	_ =	shalt  }
0x74: {  	_ =	shalt  }
0x75: {  	_ =	shalt  }
0x76: {  	_ =	shalt  }
0x77: {  	_ =	shalt  }
0x78: {  	_ =	shalt  }
0x79: {  	_ =	shalt  }
0x7a: {  	_ =	shalt  }
0x7b: {  	_ =	shalt  }
0x7c: {  	_ =	shalt  }
0x7d: {  	_ =	shalt  }
0x7e: {  	_ =	shalt  }
0x7f: {  	_ =	shalt  }
0x80: {  	_ =	shalt  }
0x81: {  	_ =	shalt  }
0x82: {  	_ =	shalt  }
0x83: {  	_ =	shalt  }
0x84: {  	_ =	shalt  }
0x85: {  	_ =	shalt  }
0x86: {  	_ =	shalt  }
0x87: {  	_ =	shalt  }
.Lfunc_end0:
.L_simem_size_0:
called_computation_lowered:
.L_overlay_start_0:
0x88: {  	s0 =	sld [smem:$0x3FD9]  }
0x89: {  	s1 =	sld [smem:$0x3FFE];
	_ =	sdelay $0x3  }
0x8a: {  	s0 =	sadd.s32 s1, s0  }
0x8b: {  	[smem:$0x3FC1] =	sst s0  }
0x8c: {  	_ = 	snop  }
0x8d: {  	s0 =	sld [smem:$0x3FC9];
	(tm) =	ssettm $0x1  }
0x8e: {  	s16 =	sld [smem:$0x3FFB];
	_ =	sdelay $0x3  }
0x8f: {  	_ =	strace s16  }
0x90: {  	s1 =	sld [smem:$0x3FFC];
	_ =	sdelay $0x3  }
0x91: {  	_ =	strace s1  }
0x92: {  	s1 =	sld [smem:$0x3FFD];
	_ =	sdelay $0x3  }
0x93: {  	_ =	strace s1  }
0x94: {  	_ =	strace $0x8FFFFFFF  }
0x95: {  	s17 =	sld [smem:$0x3FDB];
	_ =	sdelay $0x1  }
0x96: {  	s2 =	simm.s32 $_scs_section_size  }
0x97: {  	s3 =	simm.s32 $_size__tile_overlayer_lowered;
	s4 =	simm.s32 $_tile_overlayer_lowered  }
0x98: {  	s20 =	simm.s32 $0x1BFF;
	s19 =	sshll.u32 s4, $0x1;
	s1 =	sadd.s32 s2, s17  }
0x99: {  	s5 =	simm.s32 $0x0;
	s18 =	sshll.u32 s3, $0x1;
	s3 =	sadd.s32 s19, s1  }
0x9a: {  	[timem:s5], [sflag:s20] =	dma.local [hbm:s3], s18  }
0x9b: {  	_ =	swait.ge [sflag:s20], s18  }
0x9c: {  	s2 =	ssub.s32 $0x0, s18;
	[sflag:s20] =	ssyncset.done $0x0  }
0x9d: {  	[sflag:s20] =	ssyncadd.s32 s2;
	_ =	sdelay $0x1  }
0x9e: {  	s21 =	simm.s32 $0x1B8B  }
0x9f: {  	_ =	swait.ge [sflag:s21], $0x1  }
0xa0: {  	[sflag:s21] =	ssyncset.done $0x0  }
0xa1: {  	s23 =	simm.s32 $0x1B8E;
	s22 =	sld [smem:$0x3FFE];
	[sflag:s21] =	ssyncadd.s32 $0xFFFFFFFF  }
0xa2: {  	s24 =	simm.s32 $execute0_lowered;
	[smem:$0x3FD2] =	sst s23  }
0xa3: {  	s3 =	sshll.u32 s24, $0x1;
	_ =	strace $0x80000046;
	[dreg:$0x1] =	wrdreg $0xFFFFFFFF  }
0xa4: {  	s25 =	simm.s32 $_size_execute0_lowered;
	s1 =	sadd.s32 s1, s3;
	[dreg:$0x0] =	wrdreg $0x0  }
0xa5: {  	s3 =	sshll.u32 s25, $0x1;
	[dreg:$0x2] =	wrdreg s1  }
0xa6: {  	[dreg:$0x3] =	wrdreg s3  }
0xa7: {  	[dreg:$0x4] =	wrdreg $0xC0  }
0xa8: {  	_ =	task [dreg:s5], $0x5FFFF  }
0xa9: {  	[dreg:$0x1] =	wrdreg $0xFFFFFFFF  }
0xaa: {  	[dreg:$0x0] =	wrdreg $0x60  }
0xab: {  	[dreg:$0x2] =	wrdreg s0  }
0xac: {  	[dreg:$0x3] =	wrdreg s22  }
0xad: {  	[dreg:$0x4] =	wrdreg $0x9  }
0xae: {  	_ =	task.clear_ibuf [dreg:s5], $0x5FFFF;
	_ =	strace $0x90000046  }
0xaf: {  	s26 =	simm.s32 $0x9;
	_ =	strace $0x80000048  }
0xb0: {  	_ =	swait.ge [sflag:s26], $0x1  }
0xb1: {  	[sflag:s26] =	ssyncadd.s32 $0xFFFFFFFF  }
0xb2: {  	_ =	strace $0x90000048  }
0xb3: {  	_ =	sfence  }
0xb4: {  	s28 =	sld [smem:$0x0];
	_ =	sdelay $0x1  }
0xb5: {  	s29 =	srdreg.scid  }
0xb6: {  	s30 =	sshll.u32 s29, $0xD;
	s31 =	sshrl.u32 s29, $0x2  }
0xb7: {  	s2 =	sand.u32 $0x4000, s30;
	s1 =	sand.u32 $0x1, s29;
	s0 =	sadd.s32 s31, s28  }
0xb8: {  	s1 =	sor.u32 s2, s1;
	s0 =	sshll.u32 s0, $0x11  }
0xb9: {  	s0 =	sor.u32 s0, s1  }
0xba: {  	s0 =	sadd.s32 $0x8F2B, s0  }
0xbb: {  	[sflag:s0] =	ssyncadd.remote.s32 $0x1  }
0xbc: {  	_ =	sfence.sel $0xFFFF  }
0xbd: {  	[dreg:$0x0] =	wrdreg $0xFFFFFFFF;
	(pc) =	sbr.abs _section_cstart, $3  }
0xbe: {  	[dreg:$0x1] =	wrdreg $0xFFFFFFFF  }
0xbf: {  	_ =	task.clear_ibuf [dreg:s5], $0x2FFFF;
	_ =	strace $0x9FFFFFFF  }
0xc0: {  	(tm) =	ssettm $0x7FFFFFFF  }
0xc1: {  	_ =	shalt  }
tec
execute0_lowered:
.L_overlay_start_1:
0x0: {  	(tag) =	ssettag $0x1  }
0x1: {  	s0 =	stileid.u32  }
0x2: {  	s5 =	rddreg [dreg:$0x0];
	s3 =	smul.u32 $0x28, s0  }
0x3: {  	s4 =	rddreg [dreg:$0x1]  }
0x4: {  	s1 =	rddreg [dreg:$0x2];
	s2 =	simm.s32 $0x0;
	s6 =	sshrl.u32 s3, $0x3  }
0x5: {  	[smem:$0x7FF] =	sst s2;
	s7 =	sadd.s32 s6, s4  }
0x6: {  	s18 =	simm.s32 $0x3;
	_ =	strace $0x80000047;
	s7 =	sadd.s32 $0x1800, s7  }
0x7: {  	[tilespmem:s2], [sflag:$0x3] =	stream.linear.gather [hbm4b:s7+s2], $0x28, $0x38;
	[tilespmem:$0x3C80] =	vst v63  }
0x8: {  	_ =	swait.ge [sflag:s18], $0x28  }
0x9: {  	[sflag:s18] =	ssyncset.done $0x0  }
0xa: {  	[sflag:s18] =	ssyncadd.s32 $0xFFFFFFD8  }
0xb: {  	v0 =	vld.msk [tilespmem:$0x0], $0xff;
	_ =	sdelay $0x4  }
0xc: {  	v1 =	vshrl.u32 v0, $0x3  }
0xd: {  	v1 =	vmul.u32 $0x18, v1  }
0xe: {  	v2 =	vlaneseq.u32;
	v0 =	vand.u32 $0x7, v0  }
0xf: {  	v60 =	vand.u32 $0x7, v2;
	v2 =	vshrl.u32 v2, $0x3;
	v0 =	vor.u32 v0, v1  }
0x10: {  	v2 =	vmul.u32 $0x8, v2;
	v0 =	vperm.xlane v0, v60;
	_ =	sdelay $0x1  }
0x11: {  	v0 =	vadd.s32 v2, v0;
	_ =	sdelay $0x3  }
0x12: {  	vm0 =	vmmov $0xffff;
	s19 =	simm.s32 $0x80  }
0x13: {  	[tilespmem:s19], [sflag:$0x1] =	stream.indirect_vreg.gather [hbm4b:s5+s2], $0x80, v0, vm0, $0xb8;
	[tilespmem:$0x3C80] =	vst v63  }
0x14: {  	vm1 =	vmmov $0xff;
	s9 =	simm.s32 $0x880;
	s8 =	sadd.s32 $0x100, s5  }
0x15: {  	[tilespmem:s9], [sflag:$0x1] =	stream.indirect_vreg.gather [hbm4b:s8+s2], $0x80, v0, vm1, $0xb8;
	[tilespmem:$0x3C80] =	vst v63  }
0x16: {  	v0 =	vld.msk [tilespmem:$0x8], $0xff;
	_ =	sdelay $0x4  }
0x17: {  	v3 =	vshrl.u32 v0, $0x3  }
0x18: {  	v3 =	vmul.u32 $0x18, v3  }
0x19: {  	v0 =	vand.u32 $0x7, v0  }
0x1a: {  	v0 =	vor.u32 v0, v3  }
0x1b: {  	v0 =	vperm.xlane v0, v60;
	_ =	sdelay $0x1  }
0x1c: {  	v0 =	vadd.s32 v2, v0;
	_ =	sdelay $0x3  }
0x1d: {  	s20 =	simm.s32 $0xC80  }
0x1e: {  	[tilespmem:s20], [sflag:$0x1] =	stream.indirect_vreg.gather [hbm4b:s5+s2], $0x80, v0, vm0, $0xb8;
	[tilespmem:$0x3C80] =	vst v63  }
0x1f: {  	s10 =	simm.s32 $0x1480  }
0x20: {  	[tilespmem:s10], [sflag:$0x1] =	stream.indirect_vreg.gather [hbm4b:s8+s2], $0x80, v0, vm1, $0xb8;
	[tilespmem:$0x3C80] =	vst v63  }
0x21: {  	v0 =	vld.msk [tilespmem:$0x10], $0xff;
	_ =	sdelay $0x4  }
0x22: {  	v61 =	vshrl.u32 v0, $0x3  }
0x23: {  	v3 =	vmul.u32 $0x18, v61  }
0x24: {  	v0 =	vand.u32 $0x7, v0  }
0x25: {  	v0 =	vor.u32 v0, v3  }
0x26: {  	v0 =	vperm.xlane v0, v60;
	_ =	sdelay $0x1  }
0x27: {  	v0 =	vadd.s32 v2, v0;
	_ =	sdelay $0x3  }
0x28: {  	s21 =	simm.s32 $0x1880  }
0x29: {  	[tilespmem:s21], [sflag:$0x1] =	stream.indirect_vreg.gather [hbm4b:s5+s2], $0x80, v0, vm0, $0xb8;
	[tilespmem:$0x3C80] =	vst v63  }
0x2a: {  	s11 =	simm.s32 $0x2080  }
0x2b: {  	[tilespmem:s11], [sflag:$0x1] =	stream.indirect_vreg.gather [hbm4b:s8+s2], $0x80, v0, vm1, $0xb8;
	[tilespmem:$0x3C80] =	vst v63  }
0x2c: {  	v0 =	vld.msk [tilespmem:$0x18], $0xff;
	_ =	sdelay $0x4  }
0x2d: {  	v62 =	vshrl.u32 v0, $0x3  }
0x2e: {  	v3 =	vmul.u32 $0x18, v62  }
0x2f: {  	v0 =	vand.u32 $0x7, v0  }
0x30: {  	v0 =	vor.u32 v0, v3  }
0x31: {  	v0 =	vperm.xlane v0, v60;
	_ =	sdelay $0x1  }
0x32: {  	v0 =	vadd.s32 v2, v0;
	_ =	sdelay $0x3  }
0x33: {  	s22 =	simm.s32 $0x2480  }
0x34: {  	[tilespmem:s22], [sflag:$0x1] =	stream.indirect_vreg.gather [hbm4b:s5+s2], $0x80, v0, vm0, $0xb8;
	[tilespmem:$0x3C80] =	vst v63  }
0x35: {  	s12 =	simm.s32 $0x2C80  }
0x36: {  	[tilespmem:s12], [sflag:$0x1] =	stream.indirect_vreg.gather [hbm4b:s8+s2], $0x80, v0, vm1, $0xb8;
	[tilespmem:$0x3C80] =	vst v63  }
0x37: {  	v0 =	vld.msk [tilespmem:$0x20], $0xff;
	_ =	sdelay $0x4  }
0x38: {  	v63 =	vshrl.u32 v0, $0x3  }
0x39: {  	v3 =	vmul.u32 $0x18, v63  }
0x3a: {  	v0 =	vand.u32 $0x7, v0  }
0x3b: {  	v0 =	vor.u32 v0, v3  }
0x3c: {  	v0 =	vperm.xlane v0, v60;
	_ =	sdelay $0x1  }
0x3d: {  	v0 =	vadd.s32 v2, v0;
	_ =	sdelay $0x3  }
0x3e: {  	s23 =	simm.s32 $0x3080  }
0x3f: {  	[tilespmem:s23], [sflag:$0x1] =	stream.indirect_vreg.gather [hbm4b:s5+s2], $0x80, v0, vm0, $0xb8;
	[tilespmem:$0x3C80] =	vst v63  }
0x40: {  	s24 =	simm.s32 $0x3880;
	s25 =	simm.s32 $0x1  }
0x41: {  	[tilespmem:s24], [sflag:$0x1] =	stream.indirect_vreg.gather [hbm4b:s8+s2], $0x80, v0, vm1, $0xb8;
	[tilespmem:$0x3C80] =	vst v63  }
0x42: {  	s6 =	smul.u32 $0x180, s6;
	_ =	swait.ge [sflag:s25], $0xC00  }
0x43: {  	s26 =	sadd.s32 $0x8, s3;
	s4 =	sadd.s32 $0x1E00, s4;
	[sflag:s25] =	ssyncset.done $0x0  }
0x44: {  	s6 =	sadd.s32 s4, s6;
	s8 =	sshrl.u32 s26, $0x3;
	[sflag:s25] =	ssyncadd.s32 $0xFFFFF400  }
0x45: {  	[hbm4b:s6+s2] =	stream.linear.scatter [tilespmem:s19], [sflag:$0x2], $0xC00, $0x38;
	[tilespmem:$0x3C80] =	vst v63  }
0x46: {  	s28 =	smul.u32 $0x180, s8;
	_ =	swait.ge [sflag:s25], $0xC00  }
0x47: {  	[sflag:s25] =	ssyncset.done $0x0  }
0x48: {  	s7 =	sadd.s32 s4, s28;
	[sflag:s25] =	ssyncadd.s32 $0xFFFFF400  }
0x49: {  	[hbm4b:s7+s2] =	stream.linear.scatter [tilespmem:s20], [sflag:$0x2], $0xC00, $0x38;
	[tilespmem:$0x3C80] =	vst v63  }
0x4a: {  	_ =	swait.ge [sflag:s25], $0xC00  }
0x4b: {  	s3 =	sadd.s32 $0x18, s3;
	[sflag:s25] =	ssyncset.done $0x0  }
0x4c: {  	s3 =	sshrl.u32 s3, $0x3;
	s29 =	sadd.s32 $0x300, s6;
	[sflag:s25] =	ssyncadd.s32 $0xFFFFF400  }
0x4d: {  	[hbm4b:s29+s2] =	stream.linear.scatter [tilespmem:s21], [sflag:$0x2], $0xC00, $0x38;
	[tilespmem:$0x3C80] =	vst v63  }
0x4e: {  	s3 =	smul.u32 $0x180, s3;
	_ =	swait.ge [sflag:s25], $0xC00  }
0x4f: {  	[sflag:s25] =	ssyncset.done $0x0  }
0x50: {  	s3 =	sadd.s32 s4, s3;
	[sflag:s25] =	ssyncadd.s32 $0xFFFFF400  }
0x51: {  	[hbm4b:s3+s2] =	stream.linear.scatter [tilespmem:s22], [sflag:$0x2], $0xC00, $0x38;
	[tilespmem:$0x3C80] =	vst v63  }
0x52: {  	_ =	swait.ge [sflag:s25], $0xC00  }
0x53: {  	[sflag:s25] =	ssyncset.done $0x0  }
0x54: {  	s31 =	simm.s32 $0x2;
	s30 =	sadd.s32 $0x600, s6;
	[sflag:s25] =	ssyncadd.s32 $0xFFFFF400  }
0x55: {  	[hbm4b:s30+s2] =	stream.linear.scatter [tilespmem:s23], [sflag:$0x2], $0xC00, $0x38;
	[tilespmem:$0x3C80] =	vst v63  }
0x56: {  	_ =	swait.ge [sflag:s31], $0xC00  }
0x57: {  	[sflag:s31] =	ssyncset.done $0x0  }
0x58: {  	[sflag:s31] =	ssyncadd.s32 $0xFFFFF400  }
0x59: {  	_ =	swait.ge [sflag:s31], $0xC00  }
0x5a: {  	[sflag:s31] =	ssyncset.done $0x0  }
0x5b: {  	[sflag:s31] =	ssyncadd.s32 $0xFFFFF400  }
0x5c: {  	_ =	swait.ge [sflag:s31], $0xC00  }
0x5d: {  	[sflag:s31] =	ssyncset.done $0x0  }
0x5e: {  	[sflag:s31] =	ssyncadd.s32 $0xFFFFF400  }
0x5f: {  	_ =	swait.ge [sflag:s31], $0xC00  }
0x60: {  	[sflag:s31] =	ssyncset.done $0x0  }
0x61: {  	[sflag:s31] =	ssyncadd.s32 $0xFFFFF400  }
0x62: {  	_ =	swait.ge [sflag:s31], $0xC00  }
0x63: {  	[sflag:s31] =	ssyncset.done $0x0  }
0x64: {  	[sflag:s31] =	ssyncadd.s32 $0xFFFFF400  }
0x65: {  	_ =	sfence.sel $0x180000  }
0x66: {  	[bflag:$0x0] =	sbarrier.arrive $0xFFFF  }
0x67: {  	p0 =	sne.s32 s0, $0x0;
	_ =	strace $0x90000047  }
0x68: {  	s0 =	sadd.s32 @!p0 $0x100000, s1;
	[bflag:$0x2] =	sbarrier.arrive $0xFFFF  }
0x69: {  	[sflag:s0] =	ssyncadd.tile.s32 @!p0 $0x1;
	_ =	shalt  }
.Lfunc_end2:
_tile_overlayer_lowered:
.L_overlay_start_2:
0x6a: {  	(tag) =	ssettag $0x2  }
0x6b: {  	s0 =	rddreg [dreg:$0x0];
	s2 =	stileid.u32  }
0x6c: {  	s1 =	rddreg [dreg:$0x1];
	p0 =	sne.s32 s2, $0x0  }
0x6d: {  	s3 =	rddreg [dreg:$0x2];
	[bflag:$0x3] =	sbarrier.arrive $0xFFFF;
	s2 =	simm.s32 @!p0 $0x1C03  }
0x6e: {  	[timem:s3], [sflag:s2] =	dma.local @!p0 [hbm:s0], s1  }
0x6f: {  	s0 =	simm.s32 @!p0 $0x3  }
0x70: {  	_ =	swait.ge @!p0 [sflag:s0], s1  }
0x71: {  	s1 =	ssub.s32 @!p0 $0x0, s1;
	[sflag:s0] =	ssyncset.done @!p0 $0x0  }
0x72: {  	[sflag:s0] =	ssyncadd.s32 @!p0 s1  }
0x73: {  	[bflag:$0x3] =	sbarrier.arrive $0xFFFF  }
0x74: {  	_ =	shalt  }

</sc_bundles>
